<compile_context>
chip_gen: v7x
topology: tpu7x:2x2x1
jax: 0.10.2.dev20260603
libtpu: 0.0.44.dev20260713+nightly
codegen_flags: <defaults>
</compile_context>

<pallas_src>
import functools

import jax
import jax.numpy as jnp
import numpy as np
from jax.experimental import pallas as pl
from jax.experimental.pallas import tpu as pltpu
from jax.experimental.pallas import tpu_sc as plsc


def _tc_table_kernel(s_ref, e_ref, f_ref, tab_ref, *, d, t_len, tb, n_half):
    j = pl.program_id(1)
    nt = t_len // tb
    dh = d // 2

    def avg_half(h, c0):
        s = s_ref[0, :, pl.ds(h * n_half, n_half)]
        e = e_ref[0, :, pl.ds(h * n_half, n_half)]
        col = jax.lax.broadcasted_iota(jnp.int32, (t_len, n_half), 0)
        in_span = (col >= s) & (col < e)
        inv_len = 1.0 / (e - s).astype(jnp.float32)
        m_avg = jnp.where(in_span, inv_len, 0.0).astype(jnp.bfloat16)
        dn = (((0,), (1,)), ((), ()))
        tab_ref[...] = jax.lax.dot_general(
            m_avg,
            f_ref[0, pl.ds(c0, dh), :].astype(jnp.bfloat16),
            dn,
            preferred_element_type=jnp.float32,
        )

    @pl.when(j < nt)
    def _():
        tab_ref[...] = f_ref[0, 0:dh, pl.ds(j * tb, tb)].T

    @pl.when((j >= nt) & (j < 2 * nt))
    def _():
        tab_ref[...] = f_ref[0, dh : 2 * dh, pl.ds((j - nt) * tb, tb)].T

    @pl.when((j >= 2 * nt) & (j < 2 * nt + 2))
    def _():
        avg_half(j - 2 * nt, 0)

    @pl.when(j >= 2 * nt + 2)
    def _():
        avg_half(j - 2 * nt - 2, dh)


def _sc_gather(tab_half, idx, out_shape, blk_r, blk_c):
    mesh = plsc.VectorSubcoreMesh(core_axis_name="core", subcore_axis_name="subcore")
    n_r = out_shape[0] // blk_r
    n_c = out_shape[1] // blk_c

    @pl.kernel(out_type=jax.ShapeDtypeStruct(out_shape, jnp.float32), mesh=mesh)
    def k(tab_hbm, i_hbm, o_hbm):
        def body(i_v, o_v):
            pltpu.sync_copy(tab_hbm.at[i_v.at[0]], o_v)

        pltpu.emit_pipeline(
            body,
            grid=(n_r, n_c),
            in_specs=[pl.BlockSpec((1, blk_r), lambda i, j: (0, j * n_r + i))],
            out_specs=[pl.BlockSpec((blk_r, blk_c), lambda i, j: (i, j))],
            core_axis_name=("core", "subcore"),
            dimension_semantics=(pltpu.PARALLEL, pltpu.PARALLEL),
        )(i_hbm, o_hbm)

    return k(tab_half, idx)


@jax.jit
def kernel(features, tois):
    b, d, t_len = features.shape
    n = tois.shape[1]
    tb = 512
    n_half = 512
    nt = t_len // tb
    na = n // n_half
    s = tois[:, :, 0]
    e = tois[:, :, 1]

    half_rows = b * t_len + b * n

    def tab_index(i, j):
        tr_l = i * nt + j
        tr_r = half_rows // tb + i * nt + (j - nt)
        av_l = b * nt + i * na + (j - 2 * nt)
        av_r = half_rows // tb + b * nt + i * na + (j - 2 * nt - 2)
        return (
            jnp.where(
                j < nt,
                tr_l,
                jnp.where(j < 2 * nt, tr_r, jnp.where(j < 2 * nt + 2, av_l, av_r)),
            ),
            0,
        )

    tab = pl.pallas_call(
        functools.partial(
            _tc_table_kernel, d=d, t_len=t_len, tb=tb, n_half=n_half
        ),
        grid=(b, 2 * (nt + na)),
        in_specs=[
            pl.BlockSpec((1, 1, n), lambda i, j: (i, 0, 0)),
            pl.BlockSpec((1, 1, n), lambda i, j: (i, 0, 0)),
            pl.BlockSpec((1, d, t_len), lambda i, j: (i, 0, 0)),
        ],
        out_specs=pl.BlockSpec((tb, d // 2), tab_index),
        out_shape=jax.ShapeDtypeStruct((2 * half_rows, d // 2), jnp.float32),
    )(s.reshape(b, 1, n), e.reshape(b, 1, n), features)

    base = jnp.arange(b, dtype=jnp.int32)[:, None] * np.int32(t_len)
    r0 = (base + s).reshape(-1)
    r1 = np.int32(b * t_len) + jnp.arange(b * n, dtype=jnp.int32)
    r2 = (base + e - 1).reshape(-1)
    hr = np.int32(half_rows)
    idx = jnp.concatenate(
        [r0, r0 + hr, r1, r1 + hr, r2, r2 + hr]
    ).reshape(1, -1)

    out = _sc_gather(tab, idx, (b * n, 3 * d), 128, d // 2)
    offsets = jnp.arange(1, b + 1, dtype=jnp.int32) * np.int32(n)
    return out, offsets

# --- scband reference (transcript-rebuilt; emitter-appended) ---
"""Pipeline reference for scband-toi-pooling-6674379178726 (READ-ONLY COPY).

The authoritative reference and input builder live on the scoring server;
editing this copy changes nothing except your own understanding.
"""

import jax, jax.numpy as jnp
import numpy as np


def setup_inputs(seed: int = 0) -> dict:
    key = jax.random.key(seed)
    k1, k2, k3 = jax.random.split(key, 3)
    B, d, T, n = 8, 512, 4096, 1024
    features = jax.random.normal(k1, (B, d, T), dtype=jnp.float32)
    # Build valid spans: 0 <= start < end <= T, so feature[:, end-1], cumsum[:, end] are in range
    start = jax.random.randint(k2, (B, n), 0, T - 1)
    length = jax.random.randint(k3, (B, n), 1, T // 4)
    end = jnp.minimum(start + length, T)
    tois = jnp.stack([start, end], axis=-1)
    return {"features": features, "tois": tois}


def _hat_toi_pooling(feature, t):
    # feature: [d, T]; t: [n, 2] with columns (start, end)
    d = feature.shape[0]
    start = t[:, 0]
    end = t[:, 1]
    # padding column of zeros then inclusive cumsum along time -> [d, T+1]
    cs = jnp.concatenate([jnp.zeros((d, 1), dtype=feature.dtype), jnp.cumsum(feature, axis=1)], axis=1)
    seg_len = (end - start).astype(feature.dtype)
    avg = (cs[:, end] - cs[:, start]) / seg_len  # weighted (mean) pooling over each span
    # [start-feature ; mean ; end-feature] stacked along feature dim, then transpose -> [n, 3*d]
    res = jnp.concatenate([feature[:, start], avg, feature[:, end - 1]], axis=0).T
    return res


def reference(features, tois):
    # features: [B, d, T]; tois: [B, n, 2]
    B = features.shape[0]
    results = []
    counts = []
    for i in range(B):
        results.append(_hat_toi_pooling(features[i], tois[i]))
        counts.append(tois[i].shape[0])
    out = jnp.concatenate(results, axis=0)  # [B*n, 3*d]
    offsets = jnp.asarray(np.cumsum(np.asarray(counts)).astype(np.int32))
    return (out, offsets)

if __name__ == "__main__":
    import jax
    _d = setup_inputs()
    print(jax.jit(kernel)(*tuple(_d.values())))

</pallas_src>

<mosaic_0001>
#map = affine_map<(d0, d1) -> (0, 0)>
module attributes {stable_mosaic.version = 14 : i64} {
  func.func @k(%arg0: i32, %arg1: i32, %arg2: memref<81920x256xf32, #tpu.memory_space<hbm>>, %arg3: memref<1x49152xi32, #tpu.memory_space<hbm>>, %arg4: memref<8192x1536xf32, #tpu.memory_space<hbm>>) attributes {dimension_semantics = [#tpu.dimension_semantics<core_parallel>, #tpu.dimension_semantics<subcore_parallel>], iteration_bounds = array<i64: 2, 16>, scalar_prefetch = 0 : i64, scratch_operands = 0 : i64, tpu.core_type = #tpu.core_type<sc_vector_subcore>, window_params = [{transform_indices = #map}, {transform_indices = #map}, {transform_indices = #map}]} {
    %mul3A = arith.constant 1 : i32
    %mul3A_0 = arith.muli %arg1, %mul3A : i32
    %add3A = arith.constant 0 : i32
    %add3A_1 = arith.addi %add3A, %mul3A_0 : i32
    %mul3A_2 = arith.constant 16 : i32
    %mul3A_3 = arith.muli %arg0, %mul3A_2 : i32
    %add3A_4 = arith.addi %add3A_1, %mul3A_3 : i32
    %mul3A_5 = arith.constant 2 : i32
    %mul3A_6 = arith.muli %add3A_4, %mul3A_5 : i32
    "tpu.region"() ({
      %run_scoped3A = memref.alloca() : memref<2x1x128xi32, #tpu.memory_space<vmem>>
      %run_scoped3A_7 = tpu.sem_alloc : memref<2x!tpu.dma_semaphore, #tpu.memory_space<semaphore_mem>>
      %run_scoped3A_8 = memref.alloca() : memref<2x128x256xf32, #tpu.memory_space<vmem>>
      %run_scoped3A_9 = tpu.sem_alloc : memref<2x!tpu.dma_semaphore, #tpu.memory_space<semaphore_mem>>
      %add3A_10 = arith.constant 0 : i32
      %add3A_11 = arith.addi %add3A_10, %mul3A_6 : i32
      %select_n3A = arith.constant true
      %select_n3A_12 = arith.constant 0 : i32
      %select_n3A_13 = arith.constant -1 : i32
      %select_n3A_14 = arith.select %select_n3A, %select_n3A_13, %select_n3A_12 : i32
      %eq3A = arith.constant -1 : i32
      %eq3A_15 = arith.cmpi eq, %select_n3A_14, %eq3A : i32
      %select_n3A_16 = arith.constant 5 : i32
      %select_n3A_17 = arith.select %eq3A_15, %select_n3A_16, %select_n3A_14 : i32
      %select_n3A_18 = arith.constant 0 : i32
      %select_n3A_19 = arith.constant -1 : i32
      %select_n3A_20 = arith.select %eq3A_15, %select_n3A_19, %select_n3A_18 : i32
      %eq3A_21 = arith.constant -1 : i32
      %eq3A_22 = arith.cmpi eq, %select_n3A_20, %eq3A_21 : i32
      %select_n3A_23 = arith.constant 1 : i32
      %select_n3A_24 = arith.select %eq3A_22, %select_n3A_23, %select_n3A_20 : i32
      %add3A_25 = arith.addi %select_n3A_24, %mul3A_6 : i32
      %add3A_26 = arith.constant 0 : i32
      %add3A_27 = arith.addi %select_n3A_17, %add3A_26 : i32
      %select_n3A_28 = arith.constant true
      %select_n3A_29 = arith.constant 0 : i32
      %select_n3A_30 = arith.constant 1 : i32
      %select_n3A_31 = arith.select %select_n3A_28, %select_n3A_30, %select_n3A_29 : i32
      %eq3A_32 = arith.constant 6 : i32
      %eq3A_33 = arith.cmpi eq, %select_n3A_31, %eq3A_32 : i32
      %select_n3A_34 = arith.constant 0 : i32
      %select_n3A_35 = arith.select %eq3A_33, %select_n3A_34, %select_n3A_31 : i32
      %select_n3A_36 = arith.constant 0 : i32
      %select_n3A_37 = arith.constant 1 : i32
      %select_n3A_38 = arith.select %eq3A_33, %select_n3A_37, %select_n3A_36 : i32
      %eq3A_39 = arith.constant 2 : i32
      %eq3A_40 = arith.cmpi eq, %select_n3A_38, %eq3A_39 : i32
      %select_n3A_41 = arith.constant 0 : i32
      %select_n3A_42 = arith.select %eq3A_40, %select_n3A_41, %select_n3A_38 : i32
      %add3A_43 = arith.addi %select_n3A_42, %mul3A_6 : i32
      %add3A_44 = arith.constant 0 : i32
      %add3A_45 = arith.addi %select_n3A_35, %add3A_44 : i32
      %add3A_46 = arith.constant 1 : i32
      %add3A_47 = arith.addi %select_n3A_35, %add3A_46 : i32
      %select_n3A_48 = arith.constant true
      %select_n3A_49 = arith.select %select_n3A_48, %add3A_47, %select_n3A_35 : i32
      %eq3A_50 = arith.constant 6 : i32
      %eq3A_51 = arith.cmpi eq, %select_n3A_49, %eq3A_50 : i32
      %select_n3A_52 = arith.constant 0 : i32
      %select_n3A_53 = arith.select %eq3A_51, %select_n3A_52, %select_n3A_49 : i32
      %add3A_54 = arith.constant 1 : i32
      %add3A_55 = arith.addi %select_n3A_42, %add3A_54 : i32
      %select_n3A_56 = arith.select %eq3A_51, %add3A_55, %select_n3A_42 : i32
      %eq3A_57 = arith.constant 2 : i32
      %eq3A_58 = arith.cmpi eq, %select_n3A_56, %eq3A_57 : i32
      %select_n3A_59 = arith.constant 0 : i32
      %select_n3A_60 = arith.select %eq3A_58, %select_n3A_59, %select_n3A_56 : i32
      %add3A_61 = arith.addi %select_n3A_60, %mul3A_6 : i32
      %add3A_62 = arith.constant 0 : i32
      %add3A_63 = arith.addi %select_n3A_53, %add3A_62 : i32
      "tpu.trace_start"() <{level = 10 : i32, message = "ep_initialize_0"}> : () -> ()
      %rem3A = arith.constant 0 : i32
      %rem3A_64 = arith.constant 2 : i32
      %rem3A_65 = arith.remui %rem3A, %rem3A_64 : i32
      %add3A_66 = arith.constant 0 : i32
      %add3A_67 = arith.addi %add3A_66, %add3A_11 : i32
      %mul3A_68 = arith.constant 128 : i32
      %mul3A_69 = arith.muli %mul3A_68, %add3A_67 : i32
      %dma_start3A = arith.constant 0 : i32
      %dma_start3A_70 = arith.constant 0 : i32
      %dma_start3A_71 = tpu.memref_slice %run_scoped3A[%rem3A_65, %dma_start3A, %dma_start3A_70] : memref<2x1x128xi32, #tpu.memory_space<vmem>> -> memref<1x1x128xi32, #tpu.memory_space<vmem>>
      %dma_start3A_72 = tpu.memref_squeeze %dma_start3A_71 : memref<1x1x128xi32, #tpu.memory_space<vmem>> -> memref<1x128xi32, #tpu.memory_space<vmem>>
      %dma_start3A_73 = arith.constant 0 : i32
      %dma_start3A_74 = tpu.memref_slice %arg3[%dma_start3A_73, %mul3A_69] : memref<1x49152xi32, #tpu.memory_space<hbm>> -> memref<1x128xi32, #tpu.memory_space<hbm>>
      %dma_start3A_75 = tpu.memref_slice %run_scoped3A_7[%rem3A_65] : memref<2x!tpu.dma_semaphore, #tpu.memory_space<semaphore_mem>> -> memref<1x!tpu.dma_semaphore, #tpu.memory_space<semaphore_mem>>
      %dma_start3A_76 = tpu.memref_squeeze %dma_start3A_75 : memref<1x!tpu.dma_semaphore, #tpu.memory_space<semaphore_mem>> -> memref<!tpu.dma_semaphore, #tpu.memory_space<semaphore_mem>>
      %dma_start3A_77 = arith.constant 0 : i32
      %dma_start3A_78 = arith.constant 0 : i32
      %dma_start3A_79 = tpu.memref_slice %run_scoped3A[%rem3A_65, %dma_start3A_77, %dma_start3A_78] : memref<2x1x128xi32, #tpu.memory_space<vmem>> -> memref<1x1x128xi32, #tpu.memory_space<vmem>>
      %dma_start3A_80 = tpu.memref_squeeze %dma_start3A_79 : memref<1x1x128xi32, #tpu.memory_space<vmem>> -> memref<1x128xi32, #tpu.memory_space<vmem>>
      %dma_start3A_81 = arith.constant 0 : i32
      %dma_start3A_82 = tpu.memref_slice %arg3[%dma_start3A_81, %mul3A_69] : memref<1x49152xi32, #tpu.memory_space<hbm>> -> memref<1x128xi32, #tpu.memory_space<hbm>>
      tpu.enqueue_dma source(%dma_start3A_82 : memref<1x128xi32, #tpu.memory_space<hbm>>) target(%dma_start3A_80 : memref<1x128xi32, #tpu.memory_space<vmem>>) target_semaphore(%dma_start3A_76 : memref<!tpu.dma_semaphore, #tpu.memory_space<semaphore_mem>>)
      %add3A_83 = arith.constant 0 : i32
      %add3A_84 = arith.constant 1 : i32
      %add3A_85 = arith.addi %add3A_83, %add3A_84 : i32
      %select_n3A_86 = arith.constant true
      %select_n3A_87 = arith.constant 0 : i32
      %select_n3A_88 = arith.select %select_n3A_86, %add3A_85, %select_n3A_87 : i32
      "tpu.trace_stop"() : () -> ()
      %scan3A = arith.constant 0 : i32
      %scan3A_89 = arith.constant 0 : i32
      %scan3A_90 = arith.constant 0 : i32
      %scan3A_91 = arith.constant 0 : i32
      %scan3A_92 = arith.constant 0 : i32
      %scan3A_93 = arith.constant 0 : i32
      %scan3A_94 = arith.constant 12 : i32
      %scan3A_95 = arith.addi %scan3A_93, %scan3A_94 : i32
      %scan3A_96 = arith.constant 1 : i32
      %scan3A_97:6 = scf.for %scan3A_187 = %scan3A_93 to %scan3A_95 step %scan3A_96 iter_args(%scan3A_188 = %select_n3A_88, %scan3A_189 = %scan3A, %scan3A_190 = %scan3A_89, %scan3A_191 = %scan3A_90, %scan3A_192 = %scan3A_91, %scan3A_193 = %scan3A_92) -> (i32, i32, i32, i32, i32, i32)  : i32 {
        %eq3A_194 = arith.constant 0 : i32
        %eq3A_195 = arith.cmpi eq, %scan3A_187, %eq3A_194 : i32
        %eq3A_196 = arith.constant 11 : i32
        %eq3A_197 = arith.cmpi eq, %scan3A_187, %eq3A_196 : i32
        %add3A_198 = arith.addi %scan3A_192, %mul3A_6 : i32
        %add3A_199 = arith.constant 0 : i32
        %add3A_200 = arith.addi %scan3A_193, %add3A_199 : i32
        %sub3A_201 = arith.constant 1 : i32
        %sub3A_202 = arith.subi %scan3A_193, %sub3A_201 : i32
        %select_n3A_203 = arith.constant true
        %select_n3A_204 = arith.select %select_n3A_203, %sub3A_202, %scan3A_193 : i32
        %eq3A_205 = arith.constant -1 : i32
        %eq3A_206 = arith.cmpi eq, %select_n3A_204, %eq3A_205 : i32
        %select_n3A_207 = arith.constant 5 : i32
        %select_n3A_208 = arith.select %eq3A_206, %select_n3A_207, %select_n3A_204 : i32
        %sub3A_209 = arith.constant 1 : i32
        %sub3A_210 = arith.subi %scan3A_192, %sub3A_209 : i32
        %select_n3A_211 = arith.select %eq3A_206, %sub3A_210, %scan3A_192 : i32
        %eq3A_212 = arith.constant -1 : i32
        %eq3A_213 = arith.cmpi eq, %select_n3A_211, %eq3A_212 : i32
        %select_n3A_214 = arith.constant 1 : i32
        %select_n3A_215 = arith.select %eq3A_213, %select_n3A_214, %select_n3A_211 : i32
        %add3A_216 = arith.addi %select_n3A_215, %mul3A_6 : i32
        %add3A_217 = arith.constant 0 : i32
        %add3A_218 = arith.addi %select_n3A_208, %add3A_217 : i32
        %add3A_219 = arith.constant 1 : i32
        %add3A_220 = arith.addi %scan3A_193, %add3A_219 : i32
        %select_n3A_221 = arith.constant true
        %select_n3A_222 = arith.select %select_n3A_221, %add3A_220, %scan3A_193 : i32
        %eq3A_223 = arith.constant 6 : i32
        %eq3A_224 = arith.cmpi eq, %select_n3A_222, %eq3A_223 : i32
        %select_n3A_225 = arith.constant 0 : i32
        %select_n3A_226 = arith.select %eq3A_224, %select_n3A_225, %select_n3A_222 : i32
        %add3A_227 = arith.constant 1 : i32
        %add3A_228 = arith.addi %scan3A_192, %add3A_227 : i32
        %select_n3A_229 = arith.select %eq3A_224, %add3A_228, %scan3A_192 : i32
        %eq3A_230 = arith.constant 2 : i32
        %eq3A_231 = arith.cmpi eq, %select_n3A_229, %eq3A_230 : i32
        %select_n3A_232 = arith.constant 0 : i32
        %select_n3A_233 = arith.select %eq3A_231, %select_n3A_232, %select_n3A_229 : i32
        %add3A_234 = arith.addi %select_n3A_233, %mul3A_6 : i32
        %add3A_235 = arith.constant 0 : i32
        %add3A_236 = arith.addi %select_n3A_226, %add3A_235 : i32
        %add3A_237 = arith.constant 1 : i32
        %add3A_238 = arith.addi %select_n3A_226, %add3A_237 : i32
        %select_n3A_239 = arith.constant true
        %select_n3A_240 = arith.select %select_n3A_239, %add3A_238, %select_n3A_226 : i32
        %eq3A_241 = arith.constant 6 : i32
        %eq3A_242 = arith.cmpi eq, %select_n3A_240, %eq3A_241 : i32
        %select_n3A_243 = arith.constant 0 : i32
        %select_n3A_244 = arith.select %eq3A_242, %select_n3A_243, %select_n3A_240 : i32
        %add3A_245 = arith.constant 1 : i32
        %add3A_246 = arith.addi %select_n3A_233, %add3A_245 : i32
        %select_n3A_247 = arith.select %eq3A_242, %add3A_246, %select_n3A_233 : i32
        %eq3A_248 = arith.constant 2 : i32
        %eq3A_249 = arith.cmpi eq, %select_n3A_247, %eq3A_248 : i32
        %select_n3A_250 = arith.constant 0 : i32
        %select_n3A_251 = arith.select %eq3A_249, %select_n3A_250, %select_n3A_247 : i32
        %add3A_252 = arith.addi %select_n3A_251, %mul3A_6 : i32
        %add3A_253 = arith.constant 0 : i32
        %add3A_254 = arith.addi %select_n3A_244, %add3A_253 : i32
        %mul3A_255 = arith.constant 64 : i32
        %mul3A_256 = arith.muli %add3A_200, %mul3A_255 : i32
        %add3A_257 = arith.addi %mul3A_256, %add3A_198 : i32
        %mul3A_258 = arith.constant 64 : i32
        %mul3A_259 = arith.muli %add3A_236, %mul3A_258 : i32
        %add3A_260 = arith.addi %mul3A_259, %add3A_234 : i32
        %ne3A = arith.cmpi ne, %add3A_257, %add3A_260 : i32
        %or3A = arith.constant false
        %or3A_261 = arith.ori %or3A, %ne3A : i1
        %ge3A = arith.constant 11 : i32
        %ge3A_262 = arith.cmpi sge, %scan3A_187, %ge3A : i32
        %not3A = arith.constant true
        %not3A_263 = arith.xori %ge3A_262, %not3A : i1
        %and3A = arith.andi %or3A_261, %not3A_263 : i1
        %convert_element_type3A = arith.extui %and3A : i1 to i32
        %cond3A = arith.constant 0 : i32
        %cond3A_264 = arith.cmpi ne, %convert_element_type3A, %cond3A : i32
        scf.if %cond3A_264 {
          "tpu.trace_start"() <{level = 10 : i32, message = "ep_copy_in"}> : () -> ()
          %rem3A_397 = arith.constant 2 : i32
          %rem3A_398 = arith.remui %scan3A_188, %rem3A_397 : i32
          %mul3A_399 = arith.constant 64 : i32
          %mul3A_400 = arith.muli %add3A_236, %mul3A_399 : i32
          %add3A_401 = arith.addi %mul3A_400, %add3A_234 : i32
          %mul3A_402 = arith.constant 128 : i32
          %mul3A_403 = arith.muli %mul3A_402, %add3A_401 : i32
          %dma_start3A_404 = arith.constant 0 : i32
          %dma_start3A_405 = arith.constant 0 : i32
          %dma_start3A_406 = tpu.memref_slice %run_scoped3A[%rem3A_398, %dma_start3A_404, %dma_start3A_405] : memref<2x1x128xi32, #tpu.memory_space<vmem>> -> memref<1x1x128xi32, #tpu.memory_space<vmem>>
          %dma_start3A_407 = tpu.memref_squeeze %dma_start3A_406 : memref<1x1x128xi32, #tpu.memory_space<vmem>> -> memref<1x128xi32, #tpu.memory_space<vmem>>
          %dma_start3A_408 = arith.constant 0 : i32
          %dma_start3A_409 = tpu.memref_slice %arg3[%dma_start3A_408, %mul3A_403] : memref<1x49152xi32, #tpu.memory_space<hbm>> -> memref<1x128xi32, #tpu.memory_space<hbm>>
          %dma_start3A_410 = tpu.memref_slice %run_scoped3A_7[%rem3A_398] : memref<2x!tpu.dma_semaphore, #tpu.memory_space<semaphore_mem>> -> memref<1x!tpu.dma_semaphore, #tpu.memory_space<semaphore_mem>>
          %dma_start3A_411 = tpu.memref_squeeze %dma_start3A_410 : memref<1x!tpu.dma_semaphore, #tpu.memory_space<semaphore_mem>> -> memref<!tpu.dma_semaphore, #tpu.memory_space<semaphore_mem>>
          %dma_start3A_412 = arith.constant 0 : i32
          %dma_start3A_413 = arith.constant 0 : i32
          %dma_start3A_414 = tpu.memref_slice %run_scoped3A[%rem3A_398, %dma_start3A_412, %dma_start3A_413] : memref<2x1x128xi32, #tpu.memory_space<vmem>> -> memref<1x1x128xi32, #tpu.memory_space<vmem>>
          %dma_start3A_415 = tpu.memref_squeeze %dma_start3A_414 : memref<1x1x128xi32, #tpu.memory_space<vmem>> -> memref<1x128xi32, #tpu.memory_space<vmem>>
          %dma_start3A_416 = arith.constant 0 : i32
          %dma_start3A_417 = tpu.memref_slice %arg3[%dma_start3A_416, %mul3A_403] : memref<1x49152xi32, #tpu.memory_space<hbm>> -> memref<1x128xi32, #tpu.memory_space<hbm>>
          tpu.enqueue_dma source(%dma_start3A_417 : memref<1x128xi32, #tpu.memory_space<hbm>>) target(%dma_start3A_415 : memref<1x128xi32, #tpu.memory_space<vmem>>) target_semaphore(%dma_start3A_411 : memref<!tpu.dma_semaphore, #tpu.memory_space<semaphore_mem>>)
          "tpu.trace_stop"() : () -> ()
        } else {
        }
        %and3A_265 = arith.constant true
        %and3A_266 = arith.andi %and3A, %and3A_265 : i1
        %add3A_267 = arith.constant 1 : i32
        %add3A_268 = arith.addi %scan3A_188, %add3A_267 : i32
        %select_n3A_269 = arith.select %and3A_266, %add3A_268, %scan3A_188 : i32
        %ne3A_270 = arith.cmpi ne, %add3A_198, %add3A_234 : i32
        %ne3A_271 = arith.cmpi ne, %add3A_200, %add3A_236 : i32
        %or3A_272 = arith.constant false
        %or3A_273 = arith.ori %or3A_272, %ne3A_270 : i1
        %or3A_274 = arith.ori %or3A_273, %ne3A_271 : i1
        %ge3A_275 = arith.constant 11 : i32
        %ge3A_276 = arith.cmpi sge, %scan3A_187, %ge3A_275 : i32
        %not3A_277 = arith.constant true
        %not3A_278 = arith.xori %ge3A_276, %not3A_277 : i1
        %and3A_279 = arith.andi %or3A_274, %not3A_278 : i1
        %mul3A_280 = arith.constant 64 : i32
        %mul3A_281 = arith.muli %add3A_200, %mul3A_280 : i32
        %add3A_282 = arith.addi %mul3A_281, %add3A_198 : i32
        %mul3A_283 = arith.constant 64 : i32
        %mul3A_284 = arith.muli %add3A_218, %mul3A_283 : i32
        %add3A_285 = arith.addi %mul3A_284, %add3A_216 : i32
        %ne3A_286 = arith.cmpi ne, %add3A_282, %add3A_285 : i32
        %or3A_287 = arith.constant false
        %or3A_288 = arith.ori %or3A_287, %ne3A_286 : i1
        %or3A_289 = arith.ori %or3A_288, %eq3A_195 : i1
        %convert_element_type3A_290 = arith.extui %or3A_289 : i1 to i32
        %cond3A_291 = arith.constant 0 : i32
        %cond3A_292 = arith.cmpi ne, %convert_element_type3A_290, %cond3A_291 : i32
        scf.if %cond3A_292 {
          "tpu.trace_start"() <{level = 10 : i32, message = "ep_wait_in"}> : () -> ()
          %mul3A_397 = arith.constant 64 : i32
          %mul3A_398 = arith.muli %add3A_200, %mul3A_397 : i32
          %add3A_399 = arith.addi %mul3A_398, %add3A_198 : i32
          %mul3A_400 = arith.constant 128 : i32
          %mul3A_401 = arith.muli %mul3A_400, %add3A_399 : i32
          %rem3A_402 = arith.constant 2 : i32
          %rem3A_403 = arith.remui %scan3A_189, %rem3A_402 : i32
          %dma_wait3A_404 = arith.constant 0 : i32
          %dma_wait3A_405 = arith.constant 0 : i32
          %dma_wait3A_406 = tpu.memref_slice %run_scoped3A[%rem3A_403, %dma_wait3A_404, %dma_wait3A_405] : memref<2x1x128xi32, #tpu.memory_space<vmem>> -> memref<1x1x128xi32, #tpu.memory_space<vmem>>
          %dma_wait3A_407 = tpu.memref_squeeze %dma_wait3A_406 : memref<1x1x128xi32, #tpu.memory_space<vmem>> -> memref<1x128xi32, #tpu.memory_space<vmem>>
          %dma_wait3A_408 = arith.constant 0 : i32
          %dma_wait3A_409 = tpu.memref_slice %arg3[%dma_wait3A_408, %mul3A_401] : memref<1x49152xi32, #tpu.memory_space<hbm>> -> memref<1x128xi32, #tpu.memory_space<hbm>>
          %dma_wait3A_410 = tpu.memref_slice %run_scoped3A_7[%rem3A_403] : memref<2x!tpu.dma_semaphore, #tpu.memory_space<semaphore_mem>> -> memref<1x!tpu.dma_semaphore, #tpu.memory_space<semaphore_mem>>
          %dma_wait3A_411 = tpu.memref_squeeze %dma_wait3A_410 : memref<1x!tpu.dma_semaphore, #tpu.memory_space<semaphore_mem>> -> memref<!tpu.dma_semaphore, #tpu.memory_space<semaphore_mem>>
          %dma_wait3A_412 = arith.constant 0 : i32
          %dma_wait3A_413 = arith.constant 0 : i32
          %dma_wait3A_414 = tpu.memref_slice %run_scoped3A[%rem3A_403, %dma_wait3A_412, %dma_wait3A_413] : memref<2x1x128xi32, #tpu.memory_space<vmem>> -> memref<1x1x128xi32, #tpu.memory_space<vmem>>
          %dma_wait3A_415 = tpu.memref_squeeze %dma_wait3A_414 : memref<1x1x128xi32, #tpu.memory_space<vmem>> -> memref<1x128xi32, #tpu.memory_space<vmem>>
          %dma_wait3A_416 = arith.constant 0 : i32
          %dma_wait3A_417 = tpu.memref_slice %arg3[%dma_wait3A_416, %mul3A_401] : memref<1x49152xi32, #tpu.memory_space<hbm>> -> memref<1x128xi32, #tpu.memory_space<hbm>>
          tpu.wait_dma2 semaphore(%dma_wait3A_411 : memref<!tpu.dma_semaphore, #tpu.memory_space<semaphore_mem>>) src(%dma_wait3A_417 : memref<1x128xi32, #tpu.memory_space<hbm>>) dst(%dma_wait3A_415 : memref<1x128xi32, #tpu.memory_space<vmem>>)
          "tpu.trace_stop"() : () -> ()
        } else {
        }
        %ne3A_293 = arith.cmpi ne, %add3A_198, %add3A_216 : i32
        %ne3A_294 = arith.cmpi ne, %add3A_200, %add3A_218 : i32
        %or3A_295 = arith.constant false
        %or3A_296 = arith.ori %or3A_295, %ne3A_293 : i1
        %or3A_297 = arith.ori %or3A_296, %ne3A_294 : i1
        %or3A_298 = arith.ori %or3A_297, %eq3A_195 : i1
        %convert_element_type3A_299 = arith.extui %or3A_298 : i1 to i32
        %cond3A_300 = arith.constant 0 : i32
        %cond3A_301 = arith.cmpi ne, %convert_element_type3A_299, %cond3A_300 : i32
        scf.if %cond3A_301 {
        } else {
        }
        %rem3A_302 = arith.constant 2 : i32
        %rem3A_303 = arith.remui %scan3A_189, %rem3A_302 : i32
        %rem3A_304 = arith.constant 2 : i32
        %rem3A_305 = arith.remui %scan3A_190, %rem3A_304 : i32
        %run_scoped3A_306 = arith.constant 0 : i32
        "tpu.trace_start"() <{level = 10 : i32, message = "ep_run_kernel"}> : () -> ()
        "tpu.region"() ({
          %run_scoped3A_397 = tpu.sem_alloc : memref<!tpu.dma_semaphore, #tpu.memory_space<semaphore_mem>>
          %dma_start3A_398 = arith.constant 0 : i32
          %dma_start3A_399 = arith.constant 0 : i32
          %dma_start3A_400 = tpu.memref_slice %run_scoped3A_8[%rem3A_305, %dma_start3A_398, %dma_start3A_399] : memref<2x128x256xf32, #tpu.memory_space<vmem>> -> memref<1x128x256xf32, #tpu.memory_space<vmem>>
          %dma_start3A_401 = tpu.memref_squeeze %dma_start3A_400 : memref<1x128x256xf32, #tpu.memory_space<vmem>> -> memref<128x256xf32, #tpu.memory_space<vmem>>
          %dma_start3A_402 = arith.constant 0 : i32
          %dma_start3A_403 = arith.constant 0 : i32
          %dma_start3A_404 = tpu.memref_slice %run_scoped3A[%rem3A_303, %dma_start3A_402, %dma_start3A_403] : memref<2x1x128xi32, #tpu.memory_space<vmem>> -> memref<1x1x128xi32, #tpu.memory_space<vmem>>
          %dma_start3A_405 = tpu.memref_squeeze %dma_start3A_404 : memref<1x1x128xi32, #tpu.memory_space<vmem>> -> memref<1x128xi32, #tpu.memory_space<vmem>>
          %dma_start3A_406 = arith.constant 0 : i32
          %dma_start3A_407 = tpu.memref_slice %dma_start3A_405[%run_scoped3A_306, %dma_start3A_406] : memref<1x128xi32, #tpu.memory_space<vmem>> -> memref<1x128xi32, #tpu.memory_space<vmem>>
          %dma_start3A_408 = tpu.memref_squeeze %dma_start3A_407 : memref<1x128xi32, #tpu.memory_space<vmem>> -> memref<128xi32, #tpu.memory_space<vmem>>
          %dma_start3A_409 = arith.constant 0 : i32
          %dma_start3A_410 = arith.constant 0 : i32
          %dma_start3A_411 = tpu.memref_slice %arg2[%dma_start3A_409, %dma_start3A_410] : memref<81920x256xf32, #tpu.memory_space<hbm>> -> memref<81920x256xf32, #tpu.memory_space<hbm>>
          tpu.enqueue_indirect_dma source(%dma_start3A_411 : memref<81920x256xf32, #tpu.memory_space<hbm>>) target(%dma_start3A_401 : memref<128x256xf32, #tpu.memory_space<vmem>>) offsets(%dma_start3A_408 : memref<128xi32, #tpu.memory_space<vmem>>) semaphore(%run_scoped3A_397 : memref<!tpu.dma_semaphore, #tpu.memory_space<semaphore_mem>>)
          %dma_wait3A_412 = arith.constant 0 : i32
          %dma_wait3A_413 = arith.constant 0 : i32
          %dma_wait3A_414 = tpu.memref_slice %run_scoped3A_8[%rem3A_305, %dma_wait3A_412, %dma_wait3A_413] : memref<2x128x256xf32, #tpu.memory_space<vmem>> -> memref<1x128x256xf32, #tpu.memory_space<vmem>>
          %dma_wait3A_415 = tpu.memref_squeeze %dma_wait3A_414 : memref<1x128x256xf32, #tpu.memory_space<vmem>> -> memref<128x256xf32, #tpu.memory_space<vmem>>
          %dma_wait3A_416 = arith.constant 0 : i32
          %dma_wait3A_417 = arith.constant 0 : i32
          %dma_wait3A_418 = tpu.memref_slice %run_scoped3A[%rem3A_303, %dma_wait3A_416, %dma_wait3A_417] : memref<2x1x128xi32, #tpu.memory_space<vmem>> -> memref<1x1x128xi32, #tpu.memory_space<vmem>>
          %dma_wait3A_419 = tpu.memref_squeeze %dma_wait3A_418 : memref<1x1x128xi32, #tpu.memory_space<vmem>> -> memref<1x128xi32, #tpu.memory_space<vmem>>
          %dma_wait3A_420 = arith.constant 0 : i32
          %dma_wait3A_421 = tpu.memref_slice %dma_wait3A_419[%run_scoped3A_306, %dma_wait3A_420] : memref<1x128xi32, #tpu.memory_space<vmem>> -> memref<1x128xi32, #tpu.memory_space<vmem>>
          %dma_wait3A_422 = tpu.memref_squeeze %dma_wait3A_421 : memref<1x128xi32, #tpu.memory_space<vmem>> -> memref<128xi32, #tpu.memory_space<vmem>>
          %dma_wait3A_423 = arith.constant 0 : i32
          %dma_wait3A_424 = arith.constant 0 : i32
          %dma_wait3A_425 = tpu.memref_slice %arg2[%dma_wait3A_423, %dma_wait3A_424] : memref<81920x256xf32, #tpu.memory_space<hbm>> -> memref<81920x256xf32, #tpu.memory_space<hbm>>
          tpu.wait_indirect_dma semaphore(%run_scoped3A_397 : memref<!tpu.dma_semaphore, #tpu.memory_space<semaphore_mem>>) src(%dma_wait3A_425 : memref<81920x256xf32, #tpu.memory_space<hbm>>) dst(%dma_wait3A_415 : memref<128x256xf32, #tpu.memory_space<vmem>>)
          tpu.yield
        }) : () -> ()
        "tpu.trace_stop"() : () -> ()
        %mul3A_307 = arith.constant 64 : i32
        %mul3A_308 = arith.muli %add3A_200, %mul3A_307 : i32
        %add3A_309 = arith.addi %mul3A_308, %add3A_198 : i32
        %mul3A_310 = arith.constant 64 : i32
        %mul3A_311 = arith.muli %add3A_236, %mul3A_310 : i32
        %add3A_312 = arith.addi %mul3A_311, %add3A_234 : i32
        %ne3A_313 = arith.cmpi ne, %add3A_309, %add3A_312 : i32
        %or3A_314 = arith.constant false
        %or3A_315 = arith.ori %or3A_314, %ne3A_313 : i1
        %or3A_316 = arith.ori %or3A_315, %eq3A_197 : i1
        %convert_element_type3A_317 = arith.extui %or3A_316 : i1 to i32
        %cond3A_318 = arith.constant 0 : i32
        %cond3A_319 = arith.cmpi ne, %convert_element_type3A_317, %cond3A_318 : i32
        scf.if %cond3A_319 {
        } else {
        }
        %and3A_320 = arith.constant false
        %and3A_321 = arith.andi %or3A_316, %and3A_320 : i1
        %ne3A_322 = arith.cmpi ne, %add3A_198, %add3A_234 : i32
        %ne3A_323 = arith.cmpi ne, %add3A_200, %add3A_236 : i32
        %or3A_324 = arith.constant false
        %or3A_325 = arith.ori %or3A_324, %ne3A_322 : i1
        %or3A_326 = arith.ori %or3A_325, %ne3A_323 : i1
        %or3A_327 = arith.ori %or3A_326, %eq3A_197 : i1
        %convert_element_type3A_328 = arith.extui %or3A_327 : i1 to i32
        %cond3A_329 = arith.constant 0 : i32
        %cond3A_330 = arith.cmpi ne, %convert_element_type3A_328, %cond3A_329 : i32
        scf.if %cond3A_330 {
          "tpu.trace_start"() <{level = 10 : i32, message = "ep_copy_out"}> : () -> ()
          %rem3A_397 = arith.constant 2 : i32
          %rem3A_398 = arith.remui %scan3A_190, %rem3A_397 : i32
          %mul3A_399 = arith.constant 128 : i32
          %mul3A_400 = arith.muli %mul3A_399, %add3A_198 : i32
          %mul3A_401 = arith.constant 256 : i32
          %mul3A_402 = arith.muli %mul3A_401, %add3A_200 : i32
          %dma_start3A_403 = arith.constant 0 : i32
          %dma_start3A_404 = arith.constant 0 : i32
          %dma_start3A_405 = tpu.memref_slice %run_scoped3A_8[%rem3A_398, %dma_start3A_403, %dma_start3A_404] : memref<2x128x256xf32, #tpu.memory_space<vmem>> -> memref<1x128x256xf32, #tpu.memory_space<vmem>>
          %dma_start3A_406 = tpu.memref_squeeze %dma_start3A_405 : memref<1x128x256xf32, #tpu.memory_space<vmem>> -> memref<128x256xf32, #tpu.memory_space<vmem>>
          %dma_start3A_407 = tpu.memref_slice %arg4[%mul3A_400, %mul3A_402] : memref<8192x1536xf32, #tpu.memory_space<hbm>> -> memref<128x256xf32, #tpu.memory_space<hbm>>
          %dma_start3A_408 = tpu.memref_slice %run_scoped3A_9[%rem3A_398] : memref<2x!tpu.dma_semaphore, #tpu.memory_space<semaphore_mem>> -> memref<1x!tpu.dma_semaphore, #tpu.memory_space<semaphore_mem>>
          %dma_start3A_409 = tpu.memref_squeeze %dma_start3A_408 : memref<1x!tpu.dma_semaphore, #tpu.memory_space<semaphore_mem>> -> memref<!tpu.dma_semaphore, #tpu.memory_space<semaphore_mem>>
          %dma_start3A_410 = tpu.memref_slice %arg4[%mul3A_400, %mul3A_402] : memref<8192x1536xf32, #tpu.memory_space<hbm>> -> memref<128x256xf32, #tpu.memory_space<hbm>>
          %dma_start3A_411 = arith.constant 0 : i32
          %dma_start3A_412 = arith.constant 0 : i32
          %dma_start3A_413 = tpu.memref_slice %run_scoped3A_8[%rem3A_398, %dma_start3A_411, %dma_start3A_412] : memref<2x128x256xf32, #tpu.memory_space<vmem>> -> memref<1x128x256xf32, #tpu.memory_space<vmem>>
          %dma_start3A_414 = tpu.memref_squeeze %dma_start3A_413 : memref<1x128x256xf32, #tpu.memory_space<vmem>> -> memref<128x256xf32, #tpu.memory_space<vmem>>
          tpu.enqueue_dma source(%dma_start3A_414 : memref<128x256xf32, #tpu.memory_space<vmem>>) target(%dma_start3A_410 : memref<128x256xf32, #tpu.memory_space<hbm>>) target_semaphore(%dma_start3A_409 : memref<!tpu.dma_semaphore, #tpu.memory_space<semaphore_mem>>)
          "tpu.trace_stop"() : () -> ()
        } else {
        }
        %and3A_331 = arith.constant true
        %and3A_332 = arith.andi %or3A_327, %and3A_331 : i1
        %add3A_333 = arith.constant 1 : i32
        %add3A_334 = arith.addi %scan3A_190, %add3A_333 : i32
        %select_n3A_335 = arith.select %and3A_332, %add3A_334, %scan3A_190 : i32
        %mul3A_336 = arith.constant 64 : i32
        %mul3A_337 = arith.muli %add3A_200, %mul3A_336 : i32
        %add3A_338 = arith.addi %mul3A_337, %add3A_198 : i32
        %mul3A_339 = arith.constant 64 : i32
        %mul3A_340 = arith.muli %add3A_218, %mul3A_339 : i32
        %add3A_341 = arith.addi %mul3A_340, %add3A_216 : i32
        %ne3A_342 = arith.cmpi ne, %add3A_338, %add3A_341 : i32
        %or3A_343 = arith.constant false
        %or3A_344 = arith.ori %or3A_343, %ne3A_342 : i1
        %not3A_345 = arith.constant true
        %not3A_346 = arith.xori %eq3A_195, %not3A_345 : i1
        %and3A_347 = arith.andi %or3A_344, %not3A_346 : i1
        %convert_element_type3A_348 = arith.extui %and3A_347 : i1 to i32
        %cond3A_349 = arith.constant 0 : i32
        %cond3A_350 = arith.cmpi ne, %convert_element_type3A_348, %cond3A_349 : i32
        scf.if %cond3A_350 {
        } else {
        }
        %and3A_351 = arith.constant false
        %and3A_352 = arith.andi %and3A_347, %and3A_351 : i1
        %ne3A_353 = arith.cmpi ne, %add3A_198, %add3A_216 : i32
        %ne3A_354 = arith.cmpi ne, %add3A_200, %add3A_218 : i32
        %or3A_355 = arith.constant false
        %or3A_356 = arith.ori %or3A_355, %ne3A_353 : i1
        %or3A_357 = arith.ori %or3A_356, %ne3A_354 : i1
        %not3A_358 = arith.constant true
        %not3A_359 = arith.xori %eq3A_195, %not3A_358 : i1
        %and3A_360 = arith.andi %or3A_357, %not3A_359 : i1
        %convert_element_type3A_361 = arith.extui %and3A_360 : i1 to i32
        %cond3A_362 = arith.constant 0 : i32
        %cond3A_363 = arith.cmpi ne, %convert_element_type3A_361, %cond3A_362 : i32
        scf.if %cond3A_363 {
          "tpu.trace_start"() <{level = 10 : i32, message = "ep_wait_out"}> : () -> ()
          %rem3A_397 = arith.constant 2 : i32
          %rem3A_398 = arith.remui %scan3A_191, %rem3A_397 : i32
          %mul3A_399 = arith.constant 128 : i32
          %mul3A_400 = arith.muli %mul3A_399, %add3A_216 : i32
          %mul3A_401 = arith.constant 256 : i32
          %mul3A_402 = arith.muli %mul3A_401, %add3A_218 : i32
          %dma_wait3A_403 = arith.constant 0 : i32
          %dma_wait3A_404 = arith.constant 0 : i32
          %dma_wait3A_405 = tpu.memref_slice %run_scoped3A_8[%rem3A_398, %dma_wait3A_403, %dma_wait3A_404] : memref<2x128x256xf32, #tpu.memory_space<vmem>> -> memref<1x128x256xf32, #tpu.memory_space<vmem>>
          %dma_wait3A_406 = tpu.memref_squeeze %dma_wait3A_405 : memref<1x128x256xf32, #tpu.memory_space<vmem>> -> memref<128x256xf32, #tpu.memory_space<vmem>>
          %dma_wait3A_407 = tpu.memref_slice %arg4[%mul3A_400, %mul3A_402] : memref<8192x1536xf32, #tpu.memory_space<hbm>> -> memref<128x256xf32, #tpu.memory_space<hbm>>
          %dma_wait3A_408 = tpu.memref_slice %run_scoped3A_9[%rem3A_398] : memref<2x!tpu.dma_semaphore, #tpu.memory_space<semaphore_mem>> -> memref<1x!tpu.dma_semaphore, #tpu.memory_space<semaphore_mem>>
          %dma_wait3A_409 = tpu.memref_squeeze %dma_wait3A_408 : memref<1x!tpu.dma_semaphore, #tpu.memory_space<semaphore_mem>> -> memref<!tpu.dma_semaphore, #tpu.memory_space<semaphore_mem>>
          %dma_wait3A_410 = tpu.memref_slice %arg4[%mul3A_400, %mul3A_402] : memref<8192x1536xf32, #tpu.memory_space<hbm>> -> memref<128x256xf32, #tpu.memory_space<hbm>>
          %dma_wait3A_411 = arith.constant 0 : i32
          %dma_wait3A_412 = arith.constant 0 : i32
          %dma_wait3A_413 = tpu.memref_slice %run_scoped3A_8[%rem3A_398, %dma_wait3A_411, %dma_wait3A_412] : memref<2x128x256xf32, #tpu.memory_space<vmem>> -> memref<1x128x256xf32, #tpu.memory_space<vmem>>
          %dma_wait3A_414 = tpu.memref_squeeze %dma_wait3A_413 : memref<1x128x256xf32, #tpu.memory_space<vmem>> -> memref<128x256xf32, #tpu.memory_space<vmem>>
          tpu.wait_dma2 semaphore(%dma_wait3A_409 : memref<!tpu.dma_semaphore, #tpu.memory_space<semaphore_mem>>) src(%dma_wait3A_414 : memref<128x256xf32, #tpu.memory_space<vmem>>) dst(%dma_wait3A_410 : memref<128x256xf32, #tpu.memory_space<hbm>>)
          "tpu.trace_stop"() : () -> ()
        } else {
        }
        %and3A_364 = arith.constant true
        %and3A_365 = arith.andi %and3A_360, %and3A_364 : i1
        %add3A_366 = arith.constant 1 : i32
        %add3A_367 = arith.addi %scan3A_191, %add3A_366 : i32
        %select_n3A_368 = arith.select %and3A_365, %add3A_367, %scan3A_191 : i32
        %mul3A_369 = arith.constant 64 : i32
        %mul3A_370 = arith.muli %add3A_200, %mul3A_369 : i32
        %add3A_371 = arith.addi %mul3A_370, %add3A_198 : i32
        %mul3A_372 = arith.constant 64 : i32
        %mul3A_373 = arith.muli %add3A_236, %mul3A_372 : i32
        %add3A_374 = arith.addi %mul3A_373, %add3A_234 : i32
        %ne3A_375 = arith.cmpi ne, %add3A_371, %add3A_374 : i32
        %or3A_376 = arith.constant false
        %or3A_377 = arith.ori %or3A_376, %ne3A_375 : i1
        %or3A_378 = arith.ori %or3A_377, %eq3A_197 : i1
        %add3A_379 = arith.constant 1 : i32
        %add3A_380 = arith.addi %scan3A_189, %add3A_379 : i32
        %select_n3A_381 = arith.select %or3A_378, %add3A_380, %scan3A_189 : i32
        %add3A_382 = arith.constant 1 : i32
        %add3A_383 = arith.addi %scan3A_193, %add3A_382 : i32
        %select_n3A_384 = arith.constant true
        %select_n3A_385 = arith.select %select_n3A_384, %add3A_383, %scan3A_193 : i32
        %eq3A_386 = arith.constant 6 : i32
        %eq3A_387 = arith.cmpi eq, %select_n3A_385, %eq3A_386 : i32
        %select_n3A_388 = arith.constant 0 : i32
        %select_n3A_389 = arith.select %eq3A_387, %select_n3A_388, %select_n3A_385 : i32
        %add3A_390 = arith.constant 1 : i32
        %add3A_391 = arith.addi %scan3A_192, %add3A_390 : i32
        %select_n3A_392 = arith.select %eq3A_387, %add3A_391, %scan3A_192 : i32
        %eq3A_393 = arith.constant 2 : i32
        %eq3A_394 = arith.cmpi eq, %select_n3A_392, %eq3A_393 : i32
        %select_n3A_395 = arith.constant 0 : i32
        %select_n3A_396 = arith.select %eq3A_394, %select_n3A_395, %select_n3A_392 : i32
        scf.yield %select_n3A_269, %select_n3A_381, %select_n3A_335, %select_n3A_368, %select_n3A_396, %select_n3A_389 : i32, i32, i32, i32, i32, i32
      }
      %scan3A_98 = arith.constant 12 : i32
      %sub3A = arith.constant 1 : i32
      %sub3A_99 = arith.subi %scan3A_97#5, %sub3A : i32
      %select_n3A_100 = arith.constant true
      %select_n3A_101 = arith.select %select_n3A_100, %sub3A_99, %scan3A_97#5 : i32
      %eq3A_102 = arith.constant -1 : i32
      %eq3A_103 = arith.cmpi eq, %select_n3A_101, %eq3A_102 : i32
      %select_n3A_104 = arith.constant 5 : i32
      %select_n3A_105 = arith.select %eq3A_103, %select_n3A_104, %select_n3A_101 : i32
      %sub3A_106 = arith.constant 1 : i32
      %sub3A_107 = arith.subi %scan3A_97#4, %sub3A_106 : i32
      %select_n3A_108 = arith.select %eq3A_103, %sub3A_107, %scan3A_97#4 : i32
      %eq3A_109 = arith.constant -1 : i32
      %eq3A_110 = arith.cmpi eq, %select_n3A_108, %eq3A_109 : i32
      %select_n3A_111 = arith.constant 1 : i32
      %select_n3A_112 = arith.select %eq3A_110, %select_n3A_111, %select_n3A_108 : i32
      %add3A_113 = arith.addi %select_n3A_112, %mul3A_6 : i32
      %add3A_114 = arith.constant 0 : i32
      %add3A_115 = arith.addi %select_n3A_105, %add3A_114 : i32
      %sub3A_116 = arith.constant 1 : i32
      %sub3A_117 = arith.subi %select_n3A_105, %sub3A_116 : i32
      %select_n3A_118 = arith.constant true
      %select_n3A_119 = arith.select %select_n3A_118, %sub3A_117, %select_n3A_105 : i32
      %eq3A_120 = arith.constant -1 : i32
      %eq3A_121 = arith.cmpi eq, %select_n3A_119, %eq3A_120 : i32
      %select_n3A_122 = arith.constant 5 : i32
      %select_n3A_123 = arith.select %eq3A_121, %select_n3A_122, %select_n3A_119 : i32
      %sub3A_124 = arith.constant 1 : i32
      %sub3A_125 = arith.subi %select_n3A_112, %sub3A_124 : i32
      %select_n3A_126 = arith.select %eq3A_121, %sub3A_125, %select_n3A_112 : i32
      %eq3A_127 = arith.constant -1 : i32
      %eq3A_128 = arith.cmpi eq, %select_n3A_126, %eq3A_127 : i32
      %select_n3A_129 = arith.constant 1 : i32
      %select_n3A_130 = arith.select %eq3A_128, %select_n3A_129, %select_n3A_126 : i32
      %add3A_131 = arith.addi %select_n3A_130, %mul3A_6 : i32
      %add3A_132 = arith.constant 0 : i32
      %add3A_133 = arith.addi %select_n3A_123, %add3A_132 : i32
      %add3A_134 = arith.constant 1 : i32
      %add3A_135 = arith.addi %select_n3A_105, %add3A_134 : i32
      %select_n3A_136 = arith.constant true
      %select_n3A_137 = arith.select %select_n3A_136, %add3A_135, %select_n3A_105 : i32
      %eq3A_138 = arith.constant 6 : i32
      %eq3A_139 = arith.cmpi eq, %select_n3A_137, %eq3A_138 : i32
      %select_n3A_140 = arith.constant 0 : i32
      %select_n3A_141 = arith.select %eq3A_139, %select_n3A_140, %select_n3A_137 : i32
      %add3A_142 = arith.constant 1 : i32
      %add3A_143 = arith.addi %select_n3A_112, %add3A_142 : i32
      %select_n3A_144 = arith.select %eq3A_139, %add3A_143, %select_n3A_112 : i32
      %eq3A_145 = arith.constant 2 : i32
      %eq3A_146 = arith.cmpi eq, %select_n3A_144, %eq3A_145 : i32
      %select_n3A_147 = arith.constant 0 : i32
      %select_n3A_148 = arith.select %eq3A_146, %select_n3A_147, %select_n3A_144 : i32
      %add3A_149 = arith.addi %select_n3A_148, %mul3A_6 : i32
      %add3A_150 = arith.constant 0 : i32
      %add3A_151 = arith.addi %select_n3A_141, %add3A_150 : i32
      %add3A_152 = arith.constant 1 : i32
      %add3A_153 = arith.addi %select_n3A_141, %add3A_152 : i32
      %select_n3A_154 = arith.constant true
      %select_n3A_155 = arith.select %select_n3A_154, %add3A_153, %select_n3A_141 : i32
      %eq3A_156 = arith.constant 6 : i32
      %eq3A_157 = arith.cmpi eq, %select_n3A_155, %eq3A_156 : i32
      %select_n3A_158 = arith.constant 0 : i32
      %select_n3A_159 = arith.select %eq3A_157, %select_n3A_158, %select_n3A_155 : i32
      %add3A_160 = arith.constant 1 : i32
      %add3A_161 = arith.addi %select_n3A_148, %add3A_160 : i32
      %select_n3A_162 = arith.select %eq3A_157, %add3A_161, %select_n3A_148 : i32
      %eq3A_163 = arith.constant 2 : i32
      %eq3A_164 = arith.cmpi eq, %select_n3A_162, %eq3A_163 : i32
      %select_n3A_165 = arith.constant 0 : i32
      %select_n3A_166 = arith.select %eq3A_164, %select_n3A_165, %select_n3A_162 : i32
      %add3A_167 = arith.addi %select_n3A_166, %mul3A_6 : i32
      %add3A_168 = arith.constant 0 : i32
      %add3A_169 = arith.addi %select_n3A_159, %add3A_168 : i32
      "tpu.trace_start"() <{level = 10 : i32, message = "ep_finalize"}> : () -> ()
      %rem3A_170 = arith.constant 2 : i32
      %rem3A_171 = arith.remui %scan3A_97#3, %rem3A_170 : i32
      %mul3A_172 = arith.constant 128 : i32
      %mul3A_173 = arith.muli %mul3A_172, %add3A_113 : i32
      %mul3A_174 = arith.constant 256 : i32
      %mul3A_175 = arith.muli %mul3A_174, %add3A_115 : i32
      %dma_wait3A = arith.constant 0 : i32
      %dma_wait3A_176 = arith.constant 0 : i32
      %dma_wait3A_177 = tpu.memref_slice %run_scoped3A_8[%rem3A_171, %dma_wait3A, %dma_wait3A_176] : memref<2x128x256xf32, #tpu.memory_space<vmem>> -> memref<1x128x256xf32, #tpu.memory_space<vmem>>
      %dma_wait3A_178 = tpu.memref_squeeze %dma_wait3A_177 : memref<1x128x256xf32, #tpu.memory_space<vmem>> -> memref<128x256xf32, #tpu.memory_space<vmem>>
      %dma_wait3A_179 = tpu.memref_slice %arg4[%mul3A_173, %mul3A_175] : memref<8192x1536xf32, #tpu.memory_space<hbm>> -> memref<128x256xf32, #tpu.memory_space<hbm>>
      %dma_wait3A_180 = tpu.memref_slice %run_scoped3A_9[%rem3A_171] : memref<2x!tpu.dma_semaphore, #tpu.memory_space<semaphore_mem>> -> memref<1x!tpu.dma_semaphore, #tpu.memory_space<semaphore_mem>>
      %dma_wait3A_181 = tpu.memref_squeeze %dma_wait3A_180 : memref<1x!tpu.dma_semaphore, #tpu.memory_space<semaphore_mem>> -> memref<!tpu.dma_semaphore, #tpu.memory_space<semaphore_mem>>
      %dma_wait3A_182 = tpu.memref_slice %arg4[%mul3A_173, %mul3A_175] : memref<8192x1536xf32, #tpu.memory_space<hbm>> -> memref<128x256xf32, #tpu.memory_space<hbm>>
      %dma_wait3A_183 = arith.constant 0 : i32
      %dma_wait3A_184 = arith.constant 0 : i32
      %dma_wait3A_185 = tpu.memref_slice %run_scoped3A_8[%rem3A_171, %dma_wait3A_183, %dma_wait3A_184] : memref<2x128x256xf32, #tpu.memory_space<vmem>> -> memref<1x128x256xf32, #tpu.memory_space<vmem>>
      %dma_wait3A_186 = tpu.memref_squeeze %dma_wait3A_185 : memref<1x128x256xf32, #tpu.memory_space<vmem>> -> memref<128x256xf32, #tpu.memory_space<vmem>>
      tpu.wait_dma2 semaphore(%dma_wait3A_181 : memref<!tpu.dma_semaphore, #tpu.memory_space<semaphore_mem>>) src(%dma_wait3A_186 : memref<128x256xf32, #tpu.memory_space<vmem>>) dst(%dma_wait3A_182 : memref<128x256xf32, #tpu.memory_space<hbm>>)
      "tpu.trace_stop"() : () -> ()
      tpu.yield
    }) : () -> ()
    return
  }
}

module attributes {stable_mosaic.version = 14 : i64} {
  func.func @_tc_table_kernel(%arg0: i32, %arg1: i32, %arg2: memref<1x1x1024xi32, #tpu.memory_space<vmem>>, %arg3: memref<1x1x1024xi32, #tpu.memory_space<vmem>>, %arg4: memref<1x512x4096xf32, #tpu.memory_space<vmem>>, %arg5: memref<512x256xf32, #tpu.memory_space<vmem>>) attributes {dimension_semantics = [#tpu.dimension_semantics<arbitrary>, #tpu.dimension_semantics<arbitrary>], iteration_bounds = array<i64: 8, 20>, scalar_prefetch = 0 : i64, scratch_operands = 0 : i64, tpu.core_type = #tpu.core_type<tc>, window_params = [{transform_indices = @transform_0, window_bounds = array<i64: 1, 1, 1024>}, {transform_indices = @transform_1, window_bounds = array<i64: 1, 1, 1024>}, {transform_indices = @transform_2, window_bounds = array<i64: 1, 512, 4096>}, {transform_indices = @transform_3, window_bounds = array<i64: 512, 256>}]} {
    %lt3A = arith.constant 8 : i32
    %lt3A_0 = arith.cmpi slt, %arg1, %lt3A : i32
    %convert_element_type3A = arith.extui %lt3A_0 : i1 to i32
    %cond3A = arith.constant 0 : i32
    %cond3A_1 = arith.cmpi ne, %convert_element_type3A, %cond3A : i32
    scf.if %cond3A_1 {
      %mul3A = arith.constant 512 : i32
      %mul3A_21 = arith.muli %arg1, %mul3A : i32
      %get3A = arith.constant 0 : index
      %get3A_22 = arith.constant 0 : index
      %get3A_23 = arith.index_cast %mul3A_21 : i32 to index
      %get3A_24 = vector.load %arg4[%get3A, %get3A_22, %get3A_23] : memref<1x512x4096xf32, #tpu.memory_space<vmem>>, vector<1x256x512xf32>
      %get3A_25 = vector.shape_cast %get3A_24 : vector<1x256x512xf32> to vector<256x512xf32>
      %transpose3A = tpu.transpose %get3A_25, [1, 0] : vector<256x512xf32> -> vector<512x256xf32>
      %swap3A = arith.constant 0 : index
      %swap3A_26 = arith.constant 0 : index
      %swap3A_27 = vector.load %arg5[%swap3A, %swap3A_26] : memref<512x256xf32, #tpu.memory_space<vmem>>, vector<512x256xf32>
      tpu.vector_store %arg5[%swap3A, %swap3A_26], %transpose3A {strides = array<i32>} : memref<512x256xf32, #tpu.memory_space<vmem>>, vector<512x256xf32>,
    } else {
    }
    %ge3A = arith.constant 8 : i32
    %ge3A_2 = arith.cmpi sge, %arg1, %ge3A : i32
    %lt3A_3 = arith.constant 16 : i32
    %lt3A_4 = arith.cmpi slt, %arg1, %lt3A_3 : i32
    %and3A = arith.andi %ge3A_2, %lt3A_4 : i1
    %convert_element_type3A_5 = arith.extui %and3A : i1 to i32
    %cond3A_6 = arith.constant 0 : i32
    %cond3A_7 = arith.cmpi ne, %convert_element_type3A_5, %cond3A_6 : i32
    scf.if %cond3A_7 {
      %sub3A = arith.constant 8 : i32
      %sub3A_21 = arith.subi %arg1, %sub3A : i32
      %mul3A = arith.constant 512 : i32
      %mul3A_22 = arith.muli %sub3A_21, %mul3A : i32
      %get3A = arith.constant 0 : index
      %get3A_23 = arith.constant 256 : index
      %get3A_24 = arith.index_cast %mul3A_22 : i32 to index
      %get3A_25 = vector.load %arg4[%get3A, %get3A_23, %get3A_24] : memref<1x512x4096xf32, #tpu.memory_space<vmem>>, vector<1x256x512xf32>
      %get3A_26 = vector.shape_cast %get3A_25 : vector<1x256x512xf32> to vector<256x512xf32>
      %transpose3A = tpu.transpose %get3A_26, [1, 0] : vector<256x512xf32> -> vector<512x256xf32>
      %swap3A = arith.constant 0 : index
      %swap3A_27 = arith.constant 0 : index
      %swap3A_28 = vector.load %arg5[%swap3A, %swap3A_27] : memref<512x256xf32, #tpu.memory_space<vmem>>, vector<512x256xf32>
      tpu.vector_store %arg5[%swap3A, %swap3A_27], %transpose3A {strides = array<i32>} : memref<512x256xf32, #tpu.memory_space<vmem>>, vector<512x256xf32>,
    } else {
    }
    %ge3A_8 = arith.constant 16 : i32
    %ge3A_9 = arith.cmpi sge, %arg1, %ge3A_8 : i32
    %lt3A_10 = arith.constant 18 : i32
    %lt3A_11 = arith.cmpi slt, %arg1, %lt3A_10 : i32
    %and3A_12 = arith.andi %ge3A_9, %lt3A_11 : i1
    %convert_element_type3A_13 = arith.extui %and3A_12 : i1 to i32
    %cond3A_14 = arith.constant 0 : i32
    %cond3A_15 = arith.cmpi ne, %convert_element_type3A_13, %cond3A_14 : i32
    scf.if %cond3A_15 {
      %sub3A = arith.constant 16 : i32
      %sub3A_21 = arith.subi %arg1, %sub3A : i32
      %mul3A = arith.constant 512 : i32
      %mul3A_22 = arith.muli %sub3A_21, %mul3A : i32
      %get3A = arith.constant 0 : index
      %get3A_23 = arith.constant 0 : index
      %get3A_24 = arith.index_cast %mul3A_22 : i32 to index
      %get3A_25 = vector.load %arg2[%get3A, %get3A_23, %get3A_24] : memref<1x1x1024xi32, #tpu.memory_space<vmem>>, vector<1x1x512xi32>
      %get3A_26 = vector.shape_cast %get3A_25 : vector<1x1x512xi32> to vector<1x512xi32>
      %mul3A_27 = arith.constant 512 : i32
      %mul3A_28 = arith.muli %sub3A_21, %mul3A_27 : i32
      %get3A_29 = arith.constant 0 : index
      %get3A_30 = arith.constant 0 : index
      %get3A_31 = arith.index_cast %mul3A_28 : i32 to index
      %get3A_32 = vector.load %arg3[%get3A_29, %get3A_30, %get3A_31] : memref<1x1x1024xi32, #tpu.memory_space<vmem>>, vector<1x1x512xi32>
      %get3A_33 = vector.shape_cast %get3A_32 : vector<1x1x512xi32> to vector<1x512xi32>
      %iota3A = tpu.iota {dimensions = array<i32: 0>} : vector<4096x512xi32>
      %ge3A_34 = vector.broadcast %get3A_26 : vector<1x512xi32> to vector<4096x512xi32>
      %ge3A_35 = arith.cmpi sge, %iota3A, %ge3A_34 : vector<4096x512xi32>
      %lt3A_36 = vector.broadcast %get3A_33 : vector<1x512xi32> to vector<4096x512xi32>
      %lt3A_37 = arith.cmpi slt, %iota3A, %lt3A_36 : vector<4096x512xi32>
      %and3A_38 = arith.andi %ge3A_35, %lt3A_37 : vector<4096x512xi1>
      %sub3A_39 = arith.subi %get3A_33, %get3A_26 : vector<1x512xi32>
      %convert_element_type3A_40 = arith.sitofp %sub3A_39 : vector<1x512xi32> to vector<1x512xf32>
      %div3A = arith.constant 1.000000e+00 : f32
      %div3A_41 = vector.broadcast %div3A : f32 to vector<1x512xf32>
      %div3A_42 = arith.divf %div3A_41, %convert_element_type3A_40 : vector<1x512xf32>
      %jit3A = arith.constant 0.000000e+00 : f32
      %broadcast_in_dim3A = vector.shape_cast %div3A_42 : vector<1x512xf32> to vector<1x512xf32>
      %broadcast_in_dim3A_43 = vector.broadcast %broadcast_in_dim3A : vector<1x512xf32> to vector<4096x512xf32>
      %broadcast_in_dim3A_44 = vector.broadcast %jit3A : f32 to vector<4096x512xf32>
      %select_n3A = arith.select %and3A_38, %broadcast_in_dim3A_43, %broadcast_in_dim3A_44 : vector<4096x512xi1>, vector<4096x512xf32>
      %convert_element_type3A_45 = arith.truncf %select_n3A : vector<4096x512xf32> to vector<4096x512xbf16>
      %get3A_46 = arith.constant 0 : index
      %get3A_47 = arith.constant 0 : index
      %get3A_48 = arith.constant 0 : index
      %get3A_49 = vector.load %arg4[%get3A_46, %get3A_47, %get3A_48] : memref<1x512x4096xf32, #tpu.memory_space<vmem>>, vector<1x256x4096xf32>
      %get3A_50 = vector.shape_cast %get3A_49 : vector<1x256x4096xf32> to vector<256x4096xf32>
      %convert_element_type3A_51 = arith.truncf %get3A_50 : vector<256x4096xf32> to vector<256x4096xbf16>
      %dot_general3A = arith.constant dense<0.000000e+00> : vector<512x256xf32>
      %dot_general3A_52 = tpu.matmul %convert_element_type3A_45, %convert_element_type3A_51, %dot_general3A {dimension_numbers = #tpu.dot_dimension_numbers<[0], [1], [1], [0], [0, 1, 1, 0], [], []>, transpose_lhs_hint = false} : vector<4096x512xbf16>, vector<256x4096xbf16>, vector<512x256xf32> -> vector<512x256xf32>
      %swap3A = arith.constant 0 : index
      %swap3A_53 = arith.constant 0 : index
      %swap3A_54 = vector.load %arg5[%swap3A, %swap3A_53] : memref<512x256xf32, #tpu.memory_space<vmem>>, vector<512x256xf32>
      tpu.vector_store %arg5[%swap3A, %swap3A_53], %dot_general3A_52 {strides = array<i32>} : memref<512x256xf32, #tpu.memory_space<vmem>>, vector<512x256xf32>,
    } else {
    }
    %ge3A_16 = arith.constant 18 : i32
    %ge3A_17 = arith.cmpi sge, %arg1, %ge3A_16 : i32
    %convert_element_type3A_18 = arith.extui %ge3A_17 : i1 to i32
    %cond3A_19 = arith.constant 0 : i32
    %cond3A_20 = arith.cmpi ne, %convert_element_type3A_18, %cond3A_19 : i32
    scf.if %cond3A_20 {
      %sub3A = arith.constant 16 : i32
      %sub3A_21 = arith.subi %arg1, %sub3A : i32
      %sub3A_22 = arith.constant 2 : i32
      %sub3A_23 = arith.subi %sub3A_21, %sub3A_22 : i32
      %mul3A = arith.constant 512 : i32
      %mul3A_24 = arith.muli %sub3A_23, %mul3A : i32
      %get3A = arith.constant 0 : index
      %get3A_25 = arith.constant 0 : index
      %get3A_26 = arith.index_cast %mul3A_24 : i32 to index
      %get3A_27 = vector.load %arg2[%get3A, %get3A_25, %get3A_26] : memref<1x1x1024xi32, #tpu.memory_space<vmem>>, vector<1x1x512xi32>
      %get3A_28 = vector.shape_cast %get3A_27 : vector<1x1x512xi32> to vector<1x512xi32>
      %mul3A_29 = arith.constant 512 : i32
      %mul3A_30 = arith.muli %sub3A_23, %mul3A_29 : i32
      %get3A_31 = arith.constant 0 : index
      %get3A_32 = arith.constant 0 : index
      %get3A_33 = arith.index_cast %mul3A_30 : i32 to index
      %get3A_34 = vector.load %arg3[%get3A_31, %get3A_32, %get3A_33] : memref<1x1x1024xi32, #tpu.memory_space<vmem>>, vector<1x1x512xi32>
      %get3A_35 = vector.shape_cast %get3A_34 : vector<1x1x512xi32> to vector<1x512xi32>
      %iota3A = tpu.iota {dimensions = array<i32: 0>} : vector<4096x512xi32>
      %ge3A_36 = vector.broadcast %get3A_28 : vector<1x512xi32> to vector<4096x512xi32>
      %ge3A_37 = arith.cmpi sge, %iota3A, %ge3A_36 : vector<4096x512xi32>
      %lt3A_38 = vector.broadcast %get3A_35 : vector<1x512xi32> to vector<4096x512xi32>
      %lt3A_39 = arith.cmpi slt, %iota3A, %lt3A_38 : vector<4096x512xi32>
      %and3A_40 = arith.andi %ge3A_37, %lt3A_39 : vector<4096x512xi1>
      %sub3A_41 = arith.subi %get3A_35, %get3A_28 : vector<1x512xi32>
      %convert_element_type3A_42 = arith.sitofp %sub3A_41 : vector<1x512xi32> to vector<1x512xf32>
      %div3A = arith.constant 1.000000e+00 : f32
      %div3A_43 = vector.broadcast %div3A : f32 to vector<1x512xf32>
      %div3A_44 = arith.divf %div3A_43, %convert_element_type3A_42 : vector<1x512xf32>
      %jit3A = arith.constant 0.000000e+00 : f32
      %broadcast_in_dim3A = vector.shape_cast %div3A_44 : vector<1x512xf32> to vector<1x512xf32>
      %broadcast_in_dim3A_45 = vector.broadcast %broadcast_in_dim3A : vector<1x512xf32> to vector<4096x512xf32>
      %broadcast_in_dim3A_46 = vector.broadcast %jit3A : f32 to vector<4096x512xf32>
      %select_n3A = arith.select %and3A_40, %broadcast_in_dim3A_45, %broadcast_in_dim3A_46 : vector<4096x512xi1>, vector<4096x512xf32>
      %convert_element_type3A_47 = arith.truncf %select_n3A : vector<4096x512xf32> to vector<4096x512xbf16>
      %get3A_48 = arith.constant 0 : index
      %get3A_49 = arith.constant 256 : index
      %get3A_50 = arith.constant 0 : index
      %get3A_51 = vector.load %arg4[%get3A_48, %get3A_49, %get3A_50] : memref<1x512x4096xf32, #tpu.memory_space<vmem>>, vector<1x256x4096xf32>
      %get3A_52 = vector.shape_cast %get3A_51 : vector<1x256x4096xf32> to vector<256x4096xf32>
      %convert_element_type3A_53 = arith.truncf %get3A_52 : vector<256x4096xf32> to vector<256x4096xbf16>
      %dot_general3A = arith.constant dense<0.000000e+00> : vector<512x256xf32>
      %dot_general3A_54 = tpu.matmul %convert_element_type3A_47, %convert_element_type3A_53, %dot_general3A {dimension_numbers = #tpu.dot_dimension_numbers<[0], [1], [1], [0], [0, 1, 1, 0], [], []>, transpose_lhs_hint = false} : vector<4096x512xbf16>, vector<256x4096xbf16>, vector<512x256xf32> -> vector<512x256xf32>
      %swap3A = arith.constant 0 : index
      %swap3A_55 = arith.constant 0 : index
      %swap3A_56 = vector.load %arg5[%swap3A, %swap3A_55] : memref<512x256xf32, #tpu.memory_space<vmem>>, vector<512x256xf32>
      tpu.vector_store %arg5[%swap3A, %swap3A_55], %dot_general3A_54 {strides = array<i32>} : memref<512x256xf32, #tpu.memory_space<vmem>>, vector<512x256xf32>,
    } else {
    }
    return
  }
  func.func @transform_0(%arg0: i32, %arg1: i32) -> (i32, i32, i32) {
    %c0_i32 = arith.constant 0 : i32
    %c0_i32_0 = arith.constant 0 : i32
    %c0_i32_1 = arith.constant 0 : i32
    return %arg0, %c0_i32, %c0_i32_0 : i32, i32, i32
  }
  func.func @transform_1(%arg0: i32, %arg1: i32) -> (i32, i32, i32) {
    %c0_i32 = arith.constant 0 : i32
    %c0_i32_0 = arith.constant 0 : i32
    %c0_i32_1 = arith.constant 0 : i32
    return %arg0, %c0_i32, %c0_i32_0 : i32, i32, i32
  }
  func.func @transform_2(%arg0: i32, %arg1: i32) -> (i32, i32, i32) {
    %c0_i32 = arith.constant 0 : i32
    %c0_i32_0 = arith.constant 0 : i32
    %c0_i32_1 = arith.constant 0 : i32
    return %arg0, %c0_i32, %c0_i32_0 : i32, i32, i32
  }
  func.func @transform_3(%arg0: i32, %arg1: i32) -> (i32, i32) {
    %mul3A = arith.constant 8 : i32
    %mul3A_0 = arith.muli %arg0, %mul3A : i32
    %add3A = arith.addi %mul3A_0, %arg1 : i32
    %mul3A_1 = arith.constant 8 : i32
    %mul3A_2 = arith.muli %arg0, %mul3A_1 : i32
    %add3A_3 = arith.constant 80 : i32
    %add3A_4 = arith.addi %add3A_3, %mul3A_2 : i32
    %sub3A = arith.constant 8 : i32
    %sub3A_5 = arith.subi %arg1, %sub3A : i32
    %add3A_6 = arith.addi %add3A_4, %sub3A_5 : i32
    %mul3A_7 = arith.constant 2 : i32
    %mul3A_8 = arith.muli %arg0, %mul3A_7 : i32
    %add3A_9 = arith.constant 64 : i32
    %add3A_10 = arith.addi %add3A_9, %mul3A_8 : i32
    %sub3A_11 = arith.constant 16 : i32
    %sub3A_12 = arith.subi %arg1, %sub3A_11 : i32
    %add3A_13 = arith.addi %add3A_10, %sub3A_12 : i32
    %mul3A_14 = arith.constant 2 : i32
    %mul3A_15 = arith.muli %arg0, %mul3A_14 : i32
    %add3A_16 = arith.constant 144 : i32
    %add3A_17 = arith.addi %add3A_16, %mul3A_15 : i32
    %sub3A_18 = arith.constant 16 : i32
    %sub3A_19 = arith.subi %arg1, %sub3A_18 : i32
    %sub3A_20 = arith.constant 2 : i32
    %sub3A_21 = arith.subi %sub3A_19, %sub3A_20 : i32
    %add3A_22 = arith.addi %add3A_17, %sub3A_21 : i32
    %lt3A = arith.constant 8 : i32
    %lt3A_23 = arith.cmpi slt, %arg1, %lt3A : i32
    %lt3A_24 = arith.constant 16 : i32
    %lt3A_25 = arith.cmpi slt, %arg1, %lt3A_24 : i32
    %lt3A_26 = arith.constant 18 : i32
    %lt3A_27 = arith.cmpi slt, %arg1, %lt3A_26 : i32
    %select_n3A = arith.select %lt3A_27, %add3A_13, %add3A_22 : i32
    %select_n3A_28 = arith.select %lt3A_25, %add3A_6, %select_n3A : i32
    %select_n3A_29 = arith.select %lt3A_23, %add3A, %select_n3A_28 : i32
    %c0_i32 = arith.constant 0 : i32
    %c0_i32_30 = arith.constant 0 : i32
    return %select_n3A_29, %c0_i32 : i32, i32
  }
}

</mosaic_0001>

<sc_bundles>
// kernel: kernel.4.cloned.1.call-start
scs
__scs_entry_jumppad:
0x0: {  	(pc) =	sbr.rel $0x88, $3  }
0x1: {  	(tag) =	ssettag $0x0;
	lr =	simm.s32 $0x1  }
0x2: {  	[smem:$0x3F9F] =	sst lr;
	_ =	strace $0xD0000000  }
0x3: {  	_ = 	snop  }
0x4: {  	_ = 	snop  }
0x5: {  	_ = 	snop  }
0x6: {  	_ = 	snop  }
0x7: {  	_ = 	snop  }
__scs_overlays_trampoline_lowered:
0x8: {  	[smem:$0x3FAE] =	sst s0  }
0x9: {  	[smem:$0x3FAF] =	sst s1  }
0xa: {  	[smem:$0x3FB0] =	sst s2  }
0xb: {  	[smem:$0x3FB1] =	sst s3  }
0xc: {  	[smem:$0x3FB2] =	sst s4  }
0xd: {  	[smem:$0x3FB3] =	sst s5  }
0xe: {  	[smem:$0x3FB4] =	sst s6  }
0xf: {  	[smem:$0x3FB5] =	sst s7  }
0x10: {  	[smem:$0x3FB6] =	sst s8  }
0x11: {  	[smem:$0x3FB7] =	sst s9;
	s0 =	simm.s32 @!p0 $0x0  }
0x12: {  	s1 =	sld [smem:$0x3F9D];
	s0 =	simm.s32 @p0 $0x1  }
0x13: {  	[smem:$0x3FB8] =	sst s0;
	s0 =	simm.s32 @!p1 $0x0  }
0x14: {  	s2 =	sld [smem:$0x3F9C];
	s0 =	simm.s32 @p1 $0x1  }
0x15: {  	[smem:$0x3FB9] =	sst s0;
	s0 =	simm.s32 @!p2 $0x0  }
0x16: {  	s3 =	sld [smem:$0x3FDB];
	s0 =	simm.s32 @p2 $0x1  }
0x17: {  	s4 =	simm.s32 $0x1BF5;
	[smem:$0x3FBB] =	sst s0  }
0x18: {  	s0 =	sld [smem:$0x3F9E];
	_ =	swait.ge [sflag:s4], $0x0  }
0x19: {  	s7 =	sld [smem:$0x3F9F]  }
0x1a: {  	s8 =	sadd.s32 $0xFFFFE003, lr  }
0x1b: {  	s9 =	sadd.s32 $0xFFFFFEF7, lr;
	s5 =	simm.s32 $0xFFFFFFFF;
	p2 =	slt.u32 s8, $0xFFFFF086  }
0x1c: {  	p1 =	slt.u32 s9, $0xF7A;
	s5 =	simm.s32 @!p2 $0x0  }
0x1d: {  	s5 =	simm.s32 @p1 $0x1;
	p0 =	seq.s32 s7, s2  }
0x1e: {  	s7 =	smul.u32 @!p0 $0xF7A, s2;
	p2 =	seq.s32 @!p0 s5, $0x0  }
0x1f: {  	s9 =	smul.u32 $0xF7A, s1;
	s8 =	simm.s32 @!p0 $0x1BF5;
	p2 =	por !p2, p0  }
0x20: {  	[sflag:s8] =	ssyncset.s32 @!p0 $0xFFFFF086;
	s6 =	sadd.s32 @!p0 s3, s7;
	s7 =	simm.s32 @!p0 $0x108  }
0x21: {  	s3 =	sadd.s32 s3, s9;
	s6 =	sadd.s32 @!p0 $0x88, s6;
	s7 =	simm.s32 @p2 $0x1082  }
0x22: {  	[simem:s7], [sflag:s8] =	dma.local @!p0 [hbm:s6], $0xF7A  }
0x23: {  	s9 =	sor.u32 $0xD0000000, s2;
	s6 =	simm.s32 $0x108;
	_ =	swait.ge @!p0 [sflag:s8], $0x0  }
0x24: {  	s3 =	sadd.s32 $0x88, s3;
	s6 =	simm.s32 @!p1 $0x1082;
	[sflag:s4] =	ssyncset.s32 $0xFFFFF086  }
0x25: {  	[simem:s6], [sflag:s4] =	dma.local [hbm:s3], $0xF7A  }
0x26: {  	[smem:$0x3F9F] =	sst s1;
	(tag) =	ssettag s2;
	_ =	strace s9  }
0x27: {  	s1 =	sld [smem:$0x3FAF]  }
0x28: {  	s2 =	sld [smem:$0x3FB0]  }
0x29: {  	s4 =	sld [smem:$0x3FB2]  }
0x2a: {  	p0 =	seq.s32 s5, $0x0;
	s5 =	sld [smem:$0x3FB3]  }
0x2b: {  	s6 =	sld [smem:$0x3FB4]  }
0x2c: {  	s7 =	sld [smem:$0x3FB5]  }
0x2d: {  	s3 =	simm.s32 $0x108;
	s8 =	sld [smem:$0x3FB6]  }
0x2e: {  	s3 =	simm.s32 @!p0 $0x1082;
	s9 =	sld [smem:$0x3FB7]  }
0x2f: {  	lr =	sadd.s32 s0, s3;
	s0 =	sld [smem:$0x3FAE]  }
0x30: {  	s3 =	sld [smem:$0x3FB1]  }
0x31: {  	[smem:$0x3FBA] =	sst s10  }
0x32: {  	s10 =	sld [smem:$0x3FB8];
	_ =	sdelay $0x3  }
0x33: {  	p0 =	seq.s32 s10, $0x1;
	s10 =	sld [smem:$0x3FBA];
	_ =	sdelay $0x3  }
0x34: {  	[smem:$0x3FBA] =	sst s10  }
0x35: {  	s10 =	sld [smem:$0x3FB9];
	_ =	sdelay $0x3  }
0x36: {  	p1 =	seq.s32 s10, $0x1;
	s10 =	sld [smem:$0x3FBA];
	_ =	sdelay $0x3  }
0x37: {  	[smem:$0x3FBA] =	sst s10  }
0x38: {  	s10 =	sld [smem:$0x3FBB]  }
0x39: {  	_ = 	snop;
	(pc) =	sbr.ind lr, $3  }
0x3a: {  	_ = 	snop  }
0x3b: {  	_ = 	snop  }
0x3c: {  	p2 =	seq.s32 s10, $0x1;
	s10 =	sld [smem:$0x3FBA]  }
0x3d: {  	_ =	shalt  }
0x3e: {  	_ =	shalt  }
0x3f: {  	_ =	shalt  }
0x40: {  	_ =	shalt  }
0x41: {  	_ =	shalt  }
0x42: {  	_ =	shalt  }
0x43: {  	_ =	shalt  }
0x44: {  	_ =	shalt  }
0x45: {  	_ =	shalt  }
0x46: {  	_ =	shalt  }
0x47: {  	_ =	shalt  }
0x48: {  	_ =	shalt  }
0x49: {  	_ =	shalt  }
0x4a: {  	_ =	shalt  }
0x4b: {  	_ =	shalt  }
0x4c: {  	_ =	shalt  }
0x4d: {  	_ =	shalt  }
0x4e: {  	_ =	shalt  }
0x4f: {  	_ =	shalt  }
0x50: {  	_ =	shalt  }
0x51: {  	_ =	shalt  }
0x52: {  	_ =	shalt  }
0x53: {  	_ =	shalt  }
0x54: {  	_ =	shalt  }
0x55: {  	_ =	shalt  }
0x56: {  	_ =	shalt  }
0x57: {  	_ =	shalt  }
0x58: {  	_ =	shalt  }
0x59: {  	_ =	shalt  }
0x5a: {  	_ =	shalt  }
0x5b: {  	_ =	shalt  }
0x5c: {  	_ =	shalt  }
0x5d: {  	_ =	shalt  }
0x5e: {  	_ =	shalt  }
0x5f: {  	_ =	shalt  }
0x60: {  	_ =	shalt  }
0x61: {  	_ =	shalt  }
0x62: {  	_ =	shalt  }
0x63: {  	_ =	shalt  }
0x64: {  	_ =	shalt  }
0x65: {  	_ =	shalt  }
0x66: {  	_ =	shalt  }
0x67: {  	_ =	shalt  }
0x68: {  	_ =	shalt  }
0x69: {  	_ =	shalt  }
0x6a: {  	_ =	shalt  }
0x6b: {  	_ =	shalt  }
0x6c: {  	_ =	shalt  }
0x6d: {  	_ =	shalt  }
0x6e: {  	_ =	shalt  }
0x6f: {  	_ =	shalt  }
0x70: {  	_ =	shalt  }
0x71: {  	_ =	shalt  }
0x72: {  	_ =	shalt  }
0x73: {  	_ =	shalt  }
0x74: {  	_ =	shalt  }
0x75: {  	_ =	shalt  }
0x76: {  	_ =	shalt  }
0x77: {  	_ =	shalt  }
0x78: {  	_ =	shalt  }
0x79: {  	_ =	shalt  }
0x7a: {  	_ =	shalt  }
0x7b: {  	_ =	shalt  }
0x7c: {  	_ =	shalt  }
0x7d: {  	_ =	shalt  }
0x7e: {  	_ =	shalt  }
0x7f: {  	_ =	shalt  }
0x80: {  	_ =	shalt  }
0x81: {  	_ =	shalt  }
0x82: {  	_ =	shalt  }
0x83: {  	_ =	shalt  }
0x84: {  	_ =	shalt  }
0x85: {  	_ =	shalt  }
0x86: {  	_ =	shalt  }
0x87: {  	_ =	shalt  }
.Lfunc_end0:
.L_simem_size_0:
called_computation_lowered:
.L_overlay_start_0:
0x88: {  	s2 =	sld [smem:$0x3FD9]  }
0x89: {  	s3 =	sld [smem:$0x3FFE];
	_ =	sdelay $0x1  }
0x8a: {  	s1 =	srdreg.scid  }
0x8b: {  	s0 =	sand.u32 $0x1, s1  }
0x8c: {  	s14 =	sshll.u32 s0, $0xA;
	s2 =	sadd.s32 s3, s2  }
0x8d: {  	s2 =	sadd.s32 s2, s14  }
0x8e: {  	[smem:$0x3FC6] =	sst s2  }
0x8f: {  	_ = 	snop  }
0x90: {  	s2 =	sld [smem:$0x3FD0];
	_ =	sdelay $0x2  }
0x91: {  	s15 =	simm.s32 $0xA;
	s4 =	simm.s32 $0x10  }
0x92: {  	[smem:s4], [sflag:s15] =	dma.local [hbm:s2], $0x1  }
0x93: {  	_ =	swait.eq [sflag:s15], $0x1  }
0x94: {  	[sflag:s15] =	ssyncset.done $0x0  }
0x95: {  	[sflag:s15] =	ssyncadd.s32 $0xFFFFFFFF  }
0x96: {  	s16 =	sld [smem:$0x10];
	(tm) =	ssettm $0x1  }
0x97: {  	s17 =	sld [smem:$0x3FFB];
	_ =	sdelay $0x3  }
0x98: {  	_ =	strace s17  }
0x99: {  	s3 =	sld [smem:$0x3FFC];
	_ =	sdelay $0x3  }
0x9a: {  	_ =	strace s3  }
0x9b: {  	s3 =	sld [smem:$0x3FFD];
	_ =	sdelay $0x3  }
0x9c: {  	_ =	strace s3  }
0x9d: {  	_ =	strace $0x8FFFFFFF  }
0x9e: {  	s18 =	sld [smem:$0x3FDB];
	_ =	sdelay $0x1  }
0x9f: {  	s19 =	simm.s32 $_scs_section_size  }
0xa0: {  	s5 =	simm.s32 $_size__tile_overlayer_lowered;
	s6 =	simm.s32 $_tile_overlayer_lowered  }
0xa1: {  	s22 =	simm.s32 $0x1BFF;
	s21 =	sshll.u32 s6, $0x1;
	s3 =	sadd.s32 s19, s18  }
0xa2: {  	s7 =	simm.s32 $0x0;
	s20 =	sshll.u32 s5, $0x1;
	s5 =	sadd.s32 s21, s3  }
0xa3: {  	[timem:s7], [sflag:s22] =	dma.local [hbm:s5], s20  }
0xa4: {  	_ =	swait.ge [sflag:s22], s20  }
0xa5: {  	s4 =	ssub.s32 $0x0, s20;
	[sflag:s22] =	ssyncset.done $0x0  }
0xa6: {  	[sflag:s22] =	ssyncadd.s32 s4;
	_ =	sdelay $0x1  }
0xa7: {  	s23 =	simm.s32 $0x1B8B  }
0xa8: {  	_ =	swait.ge [sflag:s23], $0x1  }
0xa9: {  	[sflag:s23] =	ssyncset.done $0x0  }
0xaa: {  	s25 =	simm.s32 $0x1B8E;
	s24 =	sld [smem:$0x3FFE];
	[sflag:s23] =	ssyncadd.s32 $0xFFFFFFFF  }
0xab: {  	s26 =	simm.s32 $execute0_lowered;
	[smem:$0x3FD2] =	sst s25  }
0xac: {  	s5 =	sshll.u32 s26, $0x1;
	_ =	strace $0x80000046;
	[dreg:$0x1] =	wrdreg $0xFFFFFFFF  }
0xad: {  	s28 =	simm.s32 $_size_execute0_lowered;
	s3 =	sadd.s32 s3, s5;
	[dreg:$0x0] =	wrdreg $0x0  }
0xae: {  	s5 =	sshll.u32 s28, $0x1;
	[dreg:$0x2] =	wrdreg s3  }
0xaf: {  	[dreg:$0x3] =	wrdreg s5  }
0xb0: {  	[dreg:$0x4] =	wrdreg $0xC0  }
0xb1: {  	_ =	task [dreg:s7], $0x5FFFF  }
0xb2: {  	[dreg:$0x1] =	wrdreg $0xFFFFFFFF  }
0xb3: {  	[dreg:$0x0] =	wrdreg $0x60  }
0xb4: {  	[dreg:$0x2] =	wrdreg s24  }
0xb5: {  	[dreg:$0x3] =	wrdreg s16  }
0xb6: {  	[dreg:$0x4] =	wrdreg $0x9  }
0xb7: {  	_ =	task.clear_ibuf [dreg:s7], $0x5FFFF;
	_ =	strace $0x90000046  }
0xb8: {  	s29 =	simm.s32 $0x9;
	_ =	strace $0x8000004F  }
0xb9: {  	_ =	swait.ge [sflag:s29], $0x1  }
0xba: {  	[sflag:s29] =	ssyncadd.s32 $0xFFFFFFFF  }
0xbb: {  	_ =	strace $0x9000004F  }
0xbc: {  	_ =	sfence  }
0xbd: {  	s30 =	sld [smem:$0x0];
	_ =	sdelay $0x2  }
0xbe: {  	s31 =	sshll.u32 s1, $0xD;
	s1 =	sshrl.u32 s1, $0x2  }
0xbf: {  	s3 =	sand.u32 $0x4000, s31;
	s1 =	sadd.s32 s1, s30  }
0xc0: {  	s0 =	sor.u32 s3, s0;
	s1 =	sshll.u32 s1, $0x11  }
0xc1: {  	s0 =	sor.u32 s1, s0  }
0xc2: {  	s0 =	sadd.s32 $0x8F2B, s0  }
0xc3: {  	[sflag:s0] =	ssyncadd.remote.s32 $0x1  }
0xc4: {  	_ =	sfence.sel $0xFFFF  }
0xc5: {  	[dreg:$0x0] =	wrdreg $0xFFFFFFFF;
	(pc) =	sbr.abs _section_cstart, $3  }
0xc6: {  	[dreg:$0x1] =	wrdreg $0xFFFFFFFF  }
0xc7: {  	_ =	task.clear_ibuf [dreg:s7], $0x2FFFF;
	_ =	strace $0x9FFFFFFF  }
0xc8: {  	(tm) =	ssettm $0x7FFFFFFF  }
0xc9: {  	_ =	shalt  }
tec
execute0_lowered:
.L_overlay_start_1:
0x0: {  	(tag) =	ssettag $0x1  }
0x1: {  	s5 =	rddreg [dreg:$0x0]  }
0x2: {  	s1 =	rddreg [dreg:$0x1]  }
0x3: {  	s0 =	rddreg [dreg:$0x2];
	s2 =	simm.s32 $0x0;
	s3 =	srdreg.scid  }
0x4: {  	s10 =	simm.s32 $0x4;
	s11 =	simm.s32 $0x0;
	[smem:$0x7FF] =	sst s2  }
0x5: {  	s4 =	sand.u32 $0x1, s3;
	s3 =	stileid.u32;
	_ =	strace $0x80000047  }
0x6: {  	s6 =	ssub.s32 $0x2, s4;
	s7 =	sshll.u32 s4, $0x4;
	s4 =	sadd.s32 $0x2000, s5  }
0x7: {  	v2 =	vlaneseq.u32;
	s5 =	sadd.s32 $0x800, s5;
	s8 =	sshrl.u32 s6, $0x1;
	s7 =	sor.u32 s3, s7  }
0x8: {  	vm0 =	vmmov $0xffff;
	v1 =	vshrl.u32 v2, $0x3;
	s8 =	ssub.s32 s6, s8;
	s9 =	sshll.u32 s7, $0x5;
	s6 =	sshll.u32 s7, $0x1  }
0x9: {  	v0 =	vand.u32 $0x7, v2;
	v2 =	vor.u32 $0x8, v2;
	v1 =	vmul.u32 $0x8, v1;
	s7 =	sadd.s32 s5, s9;
	s8 =	smax.u32 s8, $0x1;
	s9 =	simm.s32 $0x5  }
.LBB2_1:
0xa: {  	_ =	strace $0x80000048;
	s12 =	simm.s32 $0xC;
	s19 =	simm.s32 $0x0  }
0xb: {  	s20 =	simm.s32 $0x0;
	s13 =	simm.s32 $0x0;
	s14 =	simm.s32 $0x0  }
0xc: {  	[tilespmem:s2], [sflag:$0x1] =	stream.linear.gather [hbm4b:s7+s2], $0x80, $0x200038;
	[tilespmem:$0x10100] =	vst v63  }
0xd: {  	s15 =	simm.s32 $0x0;
	s16 =	simm.s32 $0x1;
	_ =	strace $0x90000048  }
.LBB2_2:
0xe: {  	s17 =	sadd.s32 $0x1, s19  }
0xf: {  	s18 =	simm.s32 $0x1;
	p0 =	seq.s32 s17, $0x6  }
0x10: {  	s18 =	simm.s32 @!p0 $0x0  }
0x11: {  	s17 =	simm.s32 @p0 $0x0;
	s18 =	sadd.s32 s18, s20  }
0x12: {  	s21 =	sadd.s32 s6, s20;
	s22 =	sshll.u32 s17, $0x6;
	p0 =	seq.s32 s18, $0x2  }
0x13: {  	s23 =	sshll.u32 s19, $0x6;
	s22 =	sor.u32 s6, s22;
	s18 =	simm.s32 @p0 $0x0  }
0x14: {  	s24 =	sadd.s32 s21, s23;
	s22 =	sadd.s32 s18, s22  }
0x15: {  	p1 =	sne.s32 s12, $0x1;
	p0 =	sne.s32 s24, s22  }
0x16: {  	p1 =	por !p1, !p0  }
0x17: {  	p2 =	seq.s32 s19, $0x0;
	s25 =	simm.s32 $0x1;
	p1 =	por !p1, !p1  }
0x18: {  	s25 =	simm.s32 @!p2 $0x0;
	s26 =	sand.u32 @p1 $0x1, s16;
	s22 =	sshll.u32 @p1 s22, $0x4  }
0x19: {  	_ =	strace @p1 $0x80000049;
	s29 =	simm.s32 @p1 $0x0;
	s22 =	sand.u32 @p1 $0x1FFFFFF0, s22  }
0x1a: {  	s28 =	sshll.u32 @p1 s26, $0x7;
	s26 =	sadd.s32 @p1 $0x1, s26;
	s22 =	sadd.s32 @p1 s5, s22  }
0x1b: {  	[tilespmem:s28], [sflag:s26] =	stream.linear.gather @p1 [hbm4b:s22+s29], $0x80, $0x200038;
	[tilespmem:$0x10100] =	vst v63  }
0x1c: {  	s23 =	sadd.s32 $0xFFFFFFC0, s23;
	s22 =	ssub.s32 s20, s25  }
0x1d: {  	s23 =	simm.s32 @p2 $0x140;
	p3 =	seq.s32 s22, $0xFFFFFFFF  }
0x1e: {  	s23 =	sor.u32 s6, s23;
	s22 =	simm.s32 @p3 $0x1  }
0x1f: {  	p2 =	seq.s32 s12, $0xC;
	s22 =	sadd.s32 s22, s23  }
0x20: {  	p3 =	seq.s32 @!p2 s24, s22  }
0x21: {  	p3 =	por p2, !p3  }
0x22: {  	_ =	strace @p1 $0x90000049;
	s22 =	sand.u32 @p3 $0x1, s15  }
0x23: {  	_ =	strace @p3 $0x8000004A;
	s22 =	sadd.s32 @p3 $0x1, s22  }
0x24: {  	_ =	swait.ge @p3 [sflag:s22], $0x80  }
0x25: {  	[sflag:s22] =	ssyncset.done @p3 $0x0  }
0x26: {  	[sflag:s22] =	ssyncadd.s32 @p3 $0xFFFFFF80  }
0x27: {  	s28 =	sshll.u32 s15, $0x7;
	_ =	strace @p3 $0x9000004A  }
0x28: {  	s25 =	sand.u32 $0x80, s28;
	_ =	strace $0x8000004B  }
0x29: {  	v3 =	vld [tilespmem:s25+$0x0];
	_ =	sdelay $0x4  }
0x2a: {  	v4 =	vshll.u32 v3, $0x1  }
0x2b: {  	v3 =	vand.u32 $0x7, v3;
	v4 =	vand.u32 $0xFFFFFFF0, v4  }
0x2c: {  	v3 =	vor.u32 v3, v4  }
0x2d: {  	v4 =	vperm.xlane v3, v0;
	_ =	sdelay $0x1  }
0x2e: {  	v3 =	vperm.xlane v3, v2;
	v4 =	vadd.s32 v1, v4;
	_ =	sdelay $0x1  }
0x2f: {  	s23 =	sand.u32 $0x1, s14;
	v3 =	vadd.s32 v1, v3  }
0x30: {  	s24 =	sshll.u32 s23, $0xF  }
0x31: {  	s22 =	sor.u32 $0x100, s24  }
0x32: {  	[tilespmem:s22], [sflag:$0x5] =	stream.indirect_vreg.gather [hbm4b:s4+s2], $0x80, v4, vm0, $0x2000b8;
	[tilespmem:$0x10100] =	vst v63  }
0x33: {  	s29 =	sor.u32 $0x900, s24  }
0x34: {  	[tilespmem:s29], [sflag:$0x5] =	stream.indirect_vreg.gather [hbm4b:s4+s2], $0x80, v3, vm0, $0x2000b8;
	[tilespmem:$0x10100] =	vst v63  }
0x35: {  	v3 =	vld [tilespmem:s25+$0x10];
	_ =	sdelay $0x4  }
0x36: {  	v57 =	vshll.u32 v3, $0x1  }
0x37: {  	v3 =	vand.u32 $0x7, v3;
	v4 =	vand.u32 $0xFFFFFFF0, v57  }
0x38: {  	v3 =	vor.u32 v3, v4  }
0x39: {  	v4 =	vperm.xlane v3, v0;
	_ =	sdelay $0x1  }
0x3a: {  	v3 =	vperm.xlane v3, v2;
	v4 =	vadd.s32 v1, v4;
	_ =	sdelay $0x1  }
0x3b: {  	v3 =	vadd.s32 v1, v3;
	_ =	sdelay $0x1  }
0x3c: {  	s30 =	sor.u32 $0x1100, s24  }
0x3d: {  	[tilespmem:s30], [sflag:$0x5] =	stream.indirect_vreg.gather [hbm4b:s4+s2], $0x80, v4, vm0, $0x2000b8;
	[tilespmem:$0x10100] =	vst v63  }
0x3e: {  	s31 =	sor.u32 $0x1900, s24  }
0x3f: {  	[tilespmem:s31], [sflag:$0x5] =	stream.indirect_vreg.gather [hbm4b:s4+s2], $0x80, v3, vm0, $0x2000b8;
	[tilespmem:$0x10100] =	vst v63  }
0x40: {  	v3 =	vld [tilespmem:s25+$0x20];
	_ =	sdelay $0x4  }
0x41: {  	v58 =	vshll.u32 v3, $0x1  }
0x42: {  	v3 =	vand.u32 $0x7, v3;
	v4 =	vand.u32 $0xFFFFFFF0, v58  }
0x43: {  	v3 =	vor.u32 v3, v4  }
0x44: {  	v4 =	vperm.xlane v3, v0;
	_ =	sdelay $0x1  }
0x45: {  	v3 =	vperm.xlane v3, v2;
	v4 =	vadd.s32 v1, v4;
	_ =	sdelay $0x1  }
0x46: {  	v3 =	vadd.s32 v1, v3;
	_ =	sdelay $0x1  }
0x47: {  	s28 =	sor.u32 $0x2100, s24  }
0x48: {  	[tilespmem:s28], [sflag:$0x5] =	stream.indirect_vreg.gather [hbm4b:s4+s2], $0x80, v4, vm0, $0x2000b8;
	[tilespmem:$0x10100] =	vst v63  }
0x49: {  	s29 =	sor.u32 $0x2900, s24  }
0x4a: {  	[tilespmem:s29], [sflag:$0x5] =	stream.indirect_vreg.gather [hbm4b:s4+s2], $0x80, v3, vm0, $0x2000b8;
	[tilespmem:$0x10100] =	vst v63  }
0x4b: {  	v3 =	vld [tilespmem:s25+$0x30];
	_ =	sdelay $0x4  }
0x4c: {  	v59 =	vshll.u32 v3, $0x1  }
0x4d: {  	v3 =	vand.u32 $0x7, v3;
	v4 =	vand.u32 $0xFFFFFFF0, v59  }
0x4e: {  	v3 =	vor.u32 v3, v4  }
0x4f: {  	v4 =	vperm.xlane v3, v0;
	_ =	sdelay $0x1  }
0x50: {  	v3 =	vperm.xlane v3, v2;
	v4 =	vadd.s32 v1, v4;
	_ =	sdelay $0x1  }
0x51: {  	v3 =	vadd.s32 v1, v3;
	_ =	sdelay $0x1  }
0x52: {  	s30 =	sor.u32 $0x3100, s24  }
0x53: {  	[tilespmem:s30], [sflag:$0x5] =	stream.indirect_vreg.gather [hbm4b:s4+s2], $0x80, v4, vm0, $0x2000b8;
	[tilespmem:$0x10100] =	vst v63  }
0x54: {  	s31 =	sor.u32 $0x3900, s24  }
0x55: {  	[tilespmem:s31], [sflag:$0x5] =	stream.indirect_vreg.gather [hbm4b:s4+s2], $0x80, v3, vm0, $0x2000b8;
	[tilespmem:$0x10100] =	vst v63  }
0x56: {  	v3 =	vld [tilespmem:s25+$0x40];
	_ =	sdelay $0x4  }
0x57: {  	v60 =	vshll.u32 v3, $0x1  }
0x58: {  	v3 =	vand.u32 $0x7, v3;
	v4 =	vand.u32 $0xFFFFFFF0, v60  }
0x59: {  	v3 =	vor.u32 v3, v4  }
0x5a: {  	v4 =	vperm.xlane v3, v0;
	_ =	sdelay $0x1  }
0x5b: {  	v3 =	vperm.xlane v3, v2;
	v4 =	vadd.s32 v1, v4;
	_ =	sdelay $0x1  }
0x5c: {  	v3 =	vadd.s32 v1, v3;
	_ =	sdelay $0x1  }
0x5d: {  	s28 =	sor.u32 $0x4100, s24  }
0x5e: {  	[tilespmem:s28], [sflag:$0x5] =	stream.indirect_vreg.gather [hbm4b:s4+s2], $0x80, v4, vm0, $0x2000b8;
	[tilespmem:$0x10100] =	vst v63  }
0x5f: {  	s29 =	sor.u32 $0x4900, s24  }
0x60: {  	[tilespmem:s29], [sflag:$0x5] =	stream.indirect_vreg.gather [hbm4b:s4+s2], $0x80, v3, vm0, $0x2000b8;
	[tilespmem:$0x10100] =	vst v63  }
0x61: {  	v3 =	vld [tilespmem:s25+$0x50];
	_ =	sdelay $0x4  }
0x62: {  	v61 =	vshll.u32 v3, $0x1  }
0x63: {  	v3 =	vand.u32 $0x7, v3;
	v4 =	vand.u32 $0xFFFFFFF0, v61  }
0x64: {  	v3 =	vor.u32 v3, v4  }
0x65: {  	v4 =	vperm.xlane v3, v0;
	_ =	sdelay $0x1  }
0x66: {  	v3 =	vperm.xlane v3, v2;
	v4 =	vadd.s32 v1, v4;
	_ =	sdelay $0x1  }
0x67: {  	v3 =	vadd.s32 v1, v3;
	_ =	sdelay $0x1  }
0x68: {  	s30 =	sor.u32 $0x5100, s24  }
0x69: {  	[tilespmem:s30], [sflag:$0x5] =	stream.indirect_vreg.gather [hbm4b:s4+s2], $0x80, v4, vm0, $0x2000b8;
	[tilespmem:$0x10100] =	vst v63  }
0x6a: {  	s31 =	sor.u32 $0x5900, s24  }
0x6b: {  	[tilespmem:s31], [sflag:$0x5] =	stream.indirect_vreg.gather [hbm4b:s4+s2], $0x80, v3, vm0, $0x2000b8;
	[tilespmem:$0x10100] =	vst v63  }
0x6c: {  	v3 =	vld [tilespmem:s25+$0x60];
	_ =	sdelay $0x4  }
0x6d: {  	v62 =	vshll.u32 v3, $0x1  }
0x6e: {  	v3 =	vand.u32 $0x7, v3;
	v4 =	vand.u32 $0xFFFFFFF0, v62  }
0x6f: {  	v3 =	vor.u32 v3, v4  }
0x70: {  	v4 =	vperm.xlane v3, v0;
	_ =	sdelay $0x1  }
0x71: {  	v3 =	vperm.xlane v3, v2;
	v4 =	vadd.s32 v1, v4;
	_ =	sdelay $0x1  }
0x72: {  	v3 =	vadd.s32 v1, v3;
	_ =	sdelay $0x1  }
0x73: {  	s28 =	sor.u32 $0x6100, s24  }
0x74: {  	[tilespmem:s28], [sflag:$0x5] =	stream.indirect_vreg.gather [hbm4b:s4+s2], $0x80, v4, vm0, $0x2000b8;
	[tilespmem:$0x10100] =	vst v63  }
0x75: {  	s29 =	sor.u32 $0x6900, s24  }
0x76: {  	[tilespmem:s29], [sflag:$0x5] =	stream.indirect_vreg.gather [hbm4b:s4+s2], $0x80, v3, vm0, $0x2000b8;
	[tilespmem:$0x10100] =	vst v63  }
0x77: {  	v3 =	vld [tilespmem:s25+$0x70];
	_ =	sdelay $0x4  }
0x78: {  	v63 =	vshll.u32 v3, $0x1  }
0x79: {  	v3 =	vand.u32 $0x7, v3;
	v4 =	vand.u32 $0xFFFFFFF0, v63  }
0x7a: {  	v3 =	vor.u32 v3, v4  }
0x7b: {  	v4 =	vperm.xlane v3, v0;
	_ =	sdelay $0x1  }
0x7c: {  	v3 =	vperm.xlane v3, v2;
	v4 =	vadd.s32 v1, v4;
	_ =	sdelay $0x1  }
0x7d: {  	v3 =	vadd.s32 v1, v3  }
0x7e: {  	p4 =	sne.s32 s19, s17;
	p5 =	sne.s32 s20, s18  }
0x7f: {  	p6 =	seq.s32 s12, $0x1;
	p4 =	por p4, p5;
	s30 =	sor.u32 $0x7100, s24  }
0x80: {  	[tilespmem:s30], [sflag:$0x5] =	stream.indirect_vreg.gather [hbm4b:s4+s2], $0x80, v4, vm0, $0x2000b8;
	[tilespmem:$0x10100] =	vst v63  }
0x81: {  	p4 =	por p6, p4;
	s31 =	sor.u32 $0x7900, s24  }
0x82: {  	[tilespmem:s31], [sflag:$0x5] =	stream.indirect_vreg.gather [hbm4b:s4+s2], $0x80, v3, vm0, $0x2000b8;
	[tilespmem:$0x10100] =	vst v63  }
0x83: {  	s20 =	smul.u32 @p4 $0x30000, s21;
	_ =	swait.ge [sflag:s9], $0x8000  }
0x84: {  	s19 =	sshll.u32 @p4 s19, $0xB;
	[sflag:s9] =	ssyncset.done $0x0  }
0x85: {  	s21 =	simm.s32 @p4 $0x800;
	s19 =	sadd.s32 @p4 s19, s20;
	[sflag:s9] =	ssyncadd.s32 $0xFFFF8000  }
0x86: {  	s19 =	sshrl.u32 @p4 s19, $0x3;
	s20 =	sadd.s32 @p4 $0x3, s23;
	_ =	strace $0x9000004B  }
0x87: {  	s19 =	sadd.s32 @p4 s1, s19;
	s23 =	simm.s32 @p4 $0x3000;
	_ =	strace @p4 $0x8000004C  }
0x88: {  	[hbm4b:s19+s21] =	stream.strided.scatter @p4 [tilespmem:s22], [sflag:s20], $0x8000, s23, s21, $0x200038;
	[tilespmem:$0x10100] =	vst v63  }
0x89: {  	s20 =	sand.u32 @!p2 $0x1, s13;
	_ =	strace @p4 $0x9000004C  }
0x8a: {  	s20 =	sadd.s32 @!p2 $0x3, s20;
	_ =	strace @!p2 $0x8000004D  }
0x8b: {  	p0 =	por p6, p0;
	s19 =	simm.s32 $0x1;
	_ =	swait.ge @!p2 [sflag:s20], $0x8000  }
0x8c: {  	s19 =	simm.s32 @!p1 $0x0;
	p1 =	sne.s32 s12, $0xC;
	[sflag:s20] =	ssyncset.done @!p2 $0x0  }
0x8d: {  	s12 =	sadd.s32 $0xFFFFFFFF, s12;
	[sflag:s20] =	ssyncadd.s32 @!p2 $0xFFFF8000;
	s20 =	simm.s32 $0x1  }
0x8e: {  	s20 =	simm.s32 @!p0 $0x0;
	p0 =	sne.s32 s12, $0x0  }
.Ltmp0:
0x8f: {  	_ = 	snop;
	(pc) =	sbr.rel @p0 .LBB2_2-.Ltmp0, $4  }
0x90: {  	s21 =	simm.s32 $0x1;
	s16 =	sadd.s32 s19, s16;
	s19 =	simm.s32 $0x1  }
0x91: {  	s21 =	simm.s32 @!p4 $0x0;
	s19 =	simm.s32 @!p1 $0x0  }
0x92: {  	s14 =	sadd.s32 s21, s14;
	s13 =	sadd.s32 s19, s13;
	s19 =	smov.u32 s17  }
0x93: {  	_ =	strace @!p2 $0x9000004D;
	s15 =	sadd.s32 s20, s15;
	s20 =	smov.u32 s18  }
0x94: {  	s11 =	sadd.s32 $0x1, s11  }
0x95: {  	p0 =	sne.s32 s11, s8  }
.Ltmp1:
0x96: {  	_ =	strace $0x8000004E;
	(pc) =	sbr.rel @p0 .LBB2_1-.Ltmp1, $4  }
0x97: {  	_ =	swait.ge [sflag:s10], $0x8000  }
0x98: {  	[sflag:s10] =	ssyncset.done $0x0  }
0x99: {  	[sflag:s10] =	ssyncadd.s32 $0xFFFF8000  }
0x9a: {  	_ =	strace $0x9000004E  }
0x9b: {  	_ =	sfence.sel $0x180000  }
0x9c: {  	[bflag:$0x0] =	sbarrier.arrive $0xFFFF  }
0x9d: {  	p0 =	sne.s32 s3, $0x0;
	_ =	strace $0x90000047  }
0x9e: {  	s0 =	sadd.s32 @!p0 $0x100000, s0;
	[bflag:$0x2] =	sbarrier.arrive $0xFFFF  }
0x9f: {  	[sflag:s0] =	ssyncadd.tile.s32 @!p0 $0x1;
	_ =	shalt  }
.Lfunc_end2:
_tile_overlayer_lowered:
.L_overlay_start_2:
0xa0: {  	(tag) =	ssettag $0x2  }
0xa1: {  	s0 =	rddreg [dreg:$0x0];
	s2 =	stileid.u32  }
0xa2: {  	s1 =	rddreg [dreg:$0x1];
	p0 =	sne.s32 s2, $0x0  }
0xa3: {  	s3 =	rddreg [dreg:$0x2];
	[bflag:$0x3] =	sbarrier.arrive $0xFFFF;
	s2 =	simm.s32 @!p0 $0x1C01  }
0xa4: {  	[timem:s3], [sflag:s2] =	dma.local @!p0 [hbm:s0], s1  }
0xa5: {  	s0 =	simm.s32 @!p0 $0x1  }
0xa6: {  	_ =	swait.ge @!p0 [sflag:s0], s1  }
0xa7: {  	s1 =	ssub.s32 @!p0 $0x0, s1;
	[sflag:s0] =	ssyncset.done @!p0 $0x0  }
0xa8: {  	[sflag:s0] =	ssyncadd.s32 @!p0 s1  }
0xa9: {  	[bflag:$0x3] =	sbarrier.arrive $0xFFFF  }
0xaa: {  	_ =	shalt  }

</sc_bundles>
